<compile_context>
chip_gen: v7x
topology: tpu7x:2x2x1
jax: 0.10.2.dev20260603
libtpu: 0.0.44.dev20260713+nightly
codegen_flags: <defaults>
</compile_context>

<pallas_src>
import functools

import jax
import jax.numpy as jnp
from jax import lax
from jax.experimental import pallas as pl
from jax.experimental.pallas import tpu as pltpu
from jax.experimental.pallas import tpu_sc as plsc

_H = 512
_W = 512
_NPIX = _H * _W
_N = int(0.2 * _NPIX)
_K = 1000
_ROWS = _NPIX // 128
_TAB = 60672
_NW = 32
_CPW = _NPIX // _NW
_NOTCAND = 1 << 30


def _lane_scan_excl(x):
    b, r = x.shape

    def sh(y, d):
        return jnp.concatenate([jnp.zeros((b, d), jnp.float32),
                                y[:, : r - d]], axis=1)

    s = sh(x, 1)
    d = 1
    while d < r:
        s = s + sh(s, d)
        d *= 2
    return s


def _prefix_parts(xs):
    rows = xs[0].shape[0]
    r_i = lax.broadcasted_iota(jnp.int32, (128, 128), 0)
    c_i = lax.broadcasted_iota(jnp.int32, (128, 128), 1)
    tri = (r_i <= c_i).astype(jnp.float32)
    rs = jnp.concatenate(
        [jnp.sum(x, axis=1).reshape(1, rows) for x in xs], axis=0)
    s = _lane_scan_excl(rs)
    outs = []
    for i, x in enumerate(xs):
        incl = lax.dot_general(x, tri, (((1,), (0,)), ((), ())),
                               preferred_element_type=jnp.float32)
        outs.append(incl - x + s[i].reshape(rows, 1))
    return outs


def _rank_and_mask(keys, kth, n):
    gt = keys > kth
    eq = keys == kth
    m = (n - jnp.sum(gt.astype(jnp.int32))).astype(jnp.float32)
    pgt, tie = _prefix_parts([gt.astype(jnp.float32),
                              eq.astype(jnp.float32)])
    cand = gt | (eq & (tie < m))
    rank = pgt + jnp.minimum(tie, m)
    return cand, rank


def _select_mask(keys, kth, n):
    gt = keys > kth
    eq = keys == kth
    m = (n - jnp.sum(gt.astype(jnp.int32))).astype(jnp.float32)
    tie, = _prefix_parts([eq.astype(jnp.float32)])
    return gt | (eq & (tie < m))


def _kth_key(keys, n, steps=16):
    def body(i, k):
        sh = jnp.uint32(30) - jnp.uint32(2) * i.astype(jnp.uint32)
        t1 = k | (jnp.uint32(1) << sh)
        t2 = k | (jnp.uint32(2) << sh)
        t3 = k | (jnp.uint32(3) << sh)
        c1 = jnp.sum((keys >= t1).astype(jnp.int32))
        c2 = jnp.sum((keys >= t2).astype(jnp.int32))
        c3 = jnp.sum((keys >= t3).astype(jnp.int32))
        k = jnp.where(c1 >= n, t1, k)
        k = jnp.where(c2 >= n, t2, k)
        k = jnp.where(c3 >= n, t3, k)
        return k
    return lax.fori_loop(16 - steps, 16, body, jnp.uint32(0))


def _topn_rank_kernel(cam_ref, roi_ref, enc_ref):
    v = cam_ref[...] * roi_ref[...] + 1e-8
    bits = lax.bitcast_convert_type(v, jnp.uint32)
    kth = _kth_key(bits, _N, steps=15)
    cand, rank = _rank_and_mask(bits, kth, _N)
    ranki = rank.astype(jnp.int32)
    enc_ref[...] = jnp.where(cand, ranki, ranki | _NOTCAND)


_topn_rank = pl.pallas_call(
    _topn_rank_kernel,
    out_shape=jax.ShapeDtypeStruct((_ROWS, 128), jnp.int32),
)


_WIN = _CPW + 16


_RPW = _ROWS // _NW


def _gather_kernel(enc_hbm, gtab_hbm, out_hbm, gtab_v, idx_v, out_v):
    cid = lax.axis_index("c")
    sid = lax.axis_index("s")
    base = (sid * 2 + cid) * _RPW
    pltpu.sync_copy(enc_hbm.at[pl.ds(base, _RPW), :], idx_v)
    first = idx_v[0, pl.ds(0, 16)] & jnp.int32(_NOTCAND - 1)
    r0 = pl.multiple_of(jnp.min(first) & jnp.int32(~7), 8)
    pltpu.sync_copy(gtab_hbm.at[pl.ds(r0, _WIN)], gtab_v)

    @plsc.parallel_loop(0, _RPW, unroll=4)
    def _(j):
        for t in range(8):
            sl = pl.ds(t * 16, 16)
            idx = (idx_v[j, sl] & jnp.int32(_NOTCAND - 1)) - r0
            out_v[j, sl] = plsc.load_gather(gtab_v, [idx])
    pltpu.sync_copy(out_v, out_hbm.at[pl.ds(base, _RPW), :])


@functools.cache
def _gather_gumbel():
    return functools.partial(
        pl.kernel,
        mesh=plsc.VectorSubcoreMesh(core_axis_name="c", subcore_axis_name="s"),
        compiler_params=pltpu.CompilerParams(needs_layout_passes=False,
                                             use_tc_tiling_on_sc=True),
        out_type=jax.ShapeDtypeStruct((_ROWS, 128), jnp.float32),
        scratch_types=[
            pltpu.VMEM((_WIN,), jnp.float32),
            pltpu.VMEM((_RPW, 128), jnp.int32),
            pltpu.VMEM((_RPW, 128), jnp.float32),
        ],
    )(_gather_kernel)


def _select_kernel(cam_ref, roi_ref, enc_ref, g_ref, fg_ref, out_ref):
    v = cam_ref[...] * roi_ref[...] + 1e-8
    cand = enc_ref[...] < _NOTCAND
    score = jnp.where(cand, jnp.log(v) + g_ref[...], jnp.float32(-1e30))
    b = lax.bitcast_convert_type(score, jnp.int32)
    bu = lax.bitcast_convert_type(score, jnp.uint32)
    key = jnp.where(b >= 0, bu | jnp.uint32(0x80000000), ~bu)
    kth = _kth_key(key, _K)
    sel = _select_mask(key, kth, _K)
    out_ref[...] = jnp.where(sel, jnp.float32(1.0), fg_ref[...])


_select = pl.pallas_call(
    _select_kernel,
    out_shape=jax.ShapeDtypeStruct((_ROWS, 128), jnp.float32),
)


@functools.cache
def _gumbel_table():
    u = jax.random.uniform(jax.random.key(42), (_N,), jnp.float32,
                           minval=1e-9, maxval=1.0)
    return jnp.concatenate(
        [-jnp.log(-jnp.log(u)), jnp.zeros((_TAB - _N,), jnp.float32)])


def kernel(cam, roi, fg):
    cam2 = cam.reshape(_ROWS, 128)
    roi2 = roi.reshape(_ROWS, 128)
    fg2 = fg.reshape(_ROWS, 128)
    gtab = _gumbel_table()
    enc = _topn_rank(cam2, roi2)
    gmap = _gather_gumbel()(enc, gtab)
    fg_out = _select(cam2, roi2, enc, gmap, fg2)
    return fg_out.reshape(_H, _W)

# --- scband reference (transcript-rebuilt; emitter-appended) ---
"""Pipeline reference for scband-sfg-32736240730437 (READ-ONLY COPY).

The authoritative reference and input builder live on the scoring server;
editing this copy changes nothing except your own understanding.
"""

import jax, jax.numpy as jnp
import numpy as np

MAX_P = 0.2
MAX_ = 1000

def setup_inputs(seed: int = 0) -> dict:
    key = jax.random.key(seed)
    k1, = jax.random.split(key, 1)
    cam = jax.random.uniform(k1, (512, 512), dtype=jnp.float32)
    roi = jnp.ones((512, 512), dtype=jnp.float32)
    fg = jnp.zeros((512, 512), dtype=jnp.float32)
    return {"cam": cam, "roi": roi, "fg": fg}

def reference(cam, roi, fg):
    h, w = cam.shape
    # roi provided -> mask the cam
    _cam = cam * roi + 1e-08
    n = int(MAX_P * roi.size)
    _cam_flatten = _cam.reshape(h * w)
    # descending stable sort (indices); negate for descending, argsort is stable
    idx_ = jnp.argsort(-_cam_flatten, stable=True)
    # n > 0 and MAX_ > 0 branch
    tmp = jnp.zeros(h * w, dtype=jnp.float32).at[idx_[:n]].set(1.0)
    tmp = tmp.reshape(h, w)
    rows, cols = jnp.nonzero(tmp, size=n)  # exactly n nonzeros
    # seed_tech == seed_weighted -> probs are the cam values at candidate pixels
    probs = _cam[rows, cols]
    k = min(MAX_, n)
    # multinomial(num_samples=k, replacement=False) == Gumbel top-k over log-probs
    gkey = jax.random.key(42)
    u = jax.random.uniform(gkey, (n,), dtype=jnp.float32, minval=1e-9, maxval=1.0)
    gumbel = -jnp.log(-jnp.log(u))
    scores = jnp.log(probs) + gumbel
    _, selected = jax.lax.top_k(scores, k)
    fg_out = fg.at[rows[selected], cols[selected]].set(1.0)
    return fg_out

if __name__ == "__main__":
    import jax
    _d = setup_inputs()
    print(jax.jit(kernel)(*tuple(_d.values())))

</pallas_src>

<mosaic_0001>
#map = affine_map<(d0, d1) -> (0, 0)>
#map1 = affine_map<(d0, d1) -> (0)>
module attributes {stable_mosaic.version = 14 : i64} {
  func.func @_gather_kernel(%arg0: i32, %arg1: i32, %arg2: memref<2048x128xi32, #tpu.memory_space<hbm>>, %arg3: memref<60672xf32, #tpu.memory_space<hbm>>, %arg4: memref<2048x128xf32, #tpu.memory_space<hbm>>, %arg5: memref<8208xf32, #tpu.memory_space<vmem>>, %arg6: memref<64x128xi32, #tpu.memory_space<vmem>>, %arg7: memref<64x128xf32, #tpu.memory_space<vmem>>) attributes {dimension_semantics = [#tpu.dimension_semantics<core_parallel>, #tpu.dimension_semantics<subcore_parallel>], iteration_bounds = array<i64: 2, 16>, scalar_prefetch = 0 : i64, scratch_operands = 3 : i64, tpu.core_type = #tpu.core_type<sc_vector_subcore>, window_params = [{transform_indices = #map}, {transform_indices = #map1}, {transform_indices = #map}]} {
    %mul3A = arith.constant 2 : i32
    %mul3A_0 = arith.muli %arg1, %mul3A : i32
    %add3A = arith.addi %mul3A_0, %arg0 : i32
    %mul3A_1 = arith.constant 64 : i32
    %mul3A_2 = arith.muli %add3A, %mul3A_1 : i32
    "tpu.region"() ({
      %run_scoped3A = tpu.sem_alloc : memref<!tpu.dma_semaphore, #tpu.memory_space<semaphore_mem>>
      %dma_start3A = arith.constant 0 : i32
      %dma_start3A_19 = tpu.memref_slice %arg2[%mul3A_2, %dma_start3A] : memref<2048x128xi32, #tpu.memory_space<hbm>> -> memref<64x128xi32, #tpu.memory_space<hbm>>
      %dma_start3A_20 = arith.constant 0 : i32
      %dma_start3A_21 = tpu.memref_slice %arg2[%mul3A_2, %dma_start3A_20] : memref<2048x128xi32, #tpu.memory_space<hbm>> -> memref<64x128xi32, #tpu.memory_space<hbm>>
      tpu.enqueue_dma source(%dma_start3A_21 : memref<64x128xi32, #tpu.memory_space<hbm>>) target(%arg6 : memref<64x128xi32, #tpu.memory_space<vmem>>) target_semaphore(%run_scoped3A : memref<!tpu.dma_semaphore, #tpu.memory_space<semaphore_mem>>)
      %dma_wait3A = arith.constant 0 : i32
      %dma_wait3A_22 = tpu.memref_slice %arg2[%mul3A_2, %dma_wait3A] : memref<2048x128xi32, #tpu.memory_space<hbm>> -> memref<64x128xi32, #tpu.memory_space<hbm>>
      %dma_wait3A_23 = arith.constant 0 : i32
      %dma_wait3A_24 = tpu.memref_slice %arg2[%mul3A_2, %dma_wait3A_23] : memref<2048x128xi32, #tpu.memory_space<hbm>> -> memref<64x128xi32, #tpu.memory_space<hbm>>
      tpu.wait_dma2 semaphore(%run_scoped3A : memref<!tpu.dma_semaphore, #tpu.memory_space<semaphore_mem>>) src(%dma_wait3A_24 : memref<64x128xi32, #tpu.memory_space<hbm>>) dst(%arg6 : memref<64x128xi32, #tpu.memory_space<vmem>>)
      tpu.yield
    }) : () -> ()
    %get3A = arith.constant 0 : i32
    %get3A_3 = arith.index_cast %get3A : i32 to index
    %get3A_4 = arith.constant 0 : index
    %get3A_5 = tpu.vector_load %arg6[%get3A_3, %get3A_4] {strides = array<i32>} : memref<64x128xi32, #tpu.memory_space<vmem>>, vector<16xi32>,
    %and3A = arith.constant 1073741823 : i32
    %and3A_6 = vector.broadcast %and3A : i32 to vector<16xi32>
    %and3A_7 = arith.andi %get3A_5, %and3A_6 : vector<16xi32>
    %reduce_min3A = arith.constant true
    %reduce_min3A_8 = vector.broadcast %reduce_min3A : i1 to vector<16xi1>
    %reduce_min3A_9 = arith.constant -2147483648 : i32
    %reduce_min3A_10 = vector.broadcast %reduce_min3A_9 : i32 to vector<16xi32>
    %reduce_min3A_11 = arith.xori %and3A_7, %reduce_min3A_10 : vector<16xi32>
    %reduce_min3A_12 = tpu.scan <min>, %reduce_min3A_11 masked %reduce_min3A_8 : vector<16xi32>, vector<16xi1> -> vector<16xi32>
    %reduce_min3A_13 = arith.xori %reduce_min3A_12, %reduce_min3A_10 : vector<16xi32>
    %reduce_min3A_14 = vector.extract %reduce_min3A_13[15] : i32 from vector<16xi32>
    %and3A_15 = arith.constant -8 : i32
    %and3A_16 = arith.andi %reduce_min3A_14, %and3A_15 : i32
    %multiple_of3A = tpu.assume_multiple %and3A_16, 8 : i32
    "tpu.region"() ({
      %run_scoped3A = tpu.sem_alloc : memref<!tpu.dma_semaphore, #tpu.memory_space<semaphore_mem>>
      %dma_start3A = tpu.memref_slice %arg3[%multiple_of3A] : memref<60672xf32, #tpu.memory_space<hbm>> -> memref<8208xf32, #tpu.memory_space<hbm>>
      %dma_start3A_19 = tpu.memref_slice %arg3[%multiple_of3A] : memref<60672xf32, #tpu.memory_space<hbm>> -> memref<8208xf32, #tpu.memory_space<hbm>>
      tpu.enqueue_dma source(%dma_start3A_19 : memref<8208xf32, #tpu.memory_space<hbm>>) target(%arg5 : memref<8208xf32, #tpu.memory_space<vmem>>) target_semaphore(%run_scoped3A : memref<!tpu.dma_semaphore, #tpu.memory_space<semaphore_mem>>)
      %dma_wait3A = tpu.memref_slice %arg3[%multiple_of3A] : memref<60672xf32, #tpu.memory_space<hbm>> -> memref<8208xf32, #tpu.memory_space<hbm>>
      %dma_wait3A_20 = tpu.memref_slice %arg3[%multiple_of3A] : memref<60672xf32, #tpu.memory_space<hbm>> -> memref<8208xf32, #tpu.memory_space<hbm>>
      tpu.wait_dma2 semaphore(%run_scoped3A : memref<!tpu.dma_semaphore, #tpu.memory_space<semaphore_mem>>) src(%dma_wait3A_20 : memref<8208xf32, #tpu.memory_space<hbm>>) dst(%arg5 : memref<8208xf32, #tpu.memory_space<vmem>>)
      tpu.yield
    }) : () -> ()
    %parallel_loop3A = arith.constant 0 : i32
    %parallel_loop3A_17 = arith.constant 64 : i32
    %parallel_loop3A_18 = arith.constant 1 : i32
    scf.for %parallel_loop3A_19 = %parallel_loop3A to %parallel_loop3A_17 step %parallel_loop3A_18  : i32 {
      %parallel_loop3A_20 = arith.index_cast %parallel_loop3A_19 : i32 to index
      %parallel_loop3A_21 = arith.constant 0 : index
      %parallel_loop3A_22 = tpu.vector_load %arg6[%parallel_loop3A_20, %parallel_loop3A_21] {strides = array<i32>} : memref<64x128xi32, #tpu.memory_space<vmem>>, vector<16xi32>,
      %parallel_loop3A_23 = arith.constant 1073741823 : i32
      %parallel_loop3A_24 = vector.broadcast %parallel_loop3A_23 : i32 to vector<16xi32>
      %parallel_loop3A_25 = arith.andi %parallel_loop3A_22, %parallel_loop3A_24 : vector<16xi32>
      %parallel_loop3A_26 = vector.broadcast %multiple_of3A : i32 to vector<16xi32>
      %parallel_loop3A_27 = arith.subi %parallel_loop3A_25, %parallel_loop3A_26 : vector<16xi32>
      %parallel_loop3A_28 = tpu.vector_load_idx %arg5[%parallel_loop3A_27] : memref<8208xf32, #tpu.memory_space<vmem>>[vector<16xi32>], vector<16xf32>,
      %parallel_loop3A_29 = arith.index_cast %parallel_loop3A_19 : i32 to index
      %parallel_loop3A_30 = arith.constant 0 : index
      %parallel_loop3A_31 = tpu.vector_load %arg7[%parallel_loop3A_29, %parallel_loop3A_30] {strides = array<i32>} : memref<64x128xf32, #tpu.memory_space<vmem>>, vector<16xf32>,
      tpu.vector_store %arg7[%parallel_loop3A_29, %parallel_loop3A_30], %parallel_loop3A_28 {strides = array<i32>} : memref<64x128xf32, #tpu.memory_space<vmem>>, vector<16xf32>,
      %parallel_loop3A_32 = arith.index_cast %parallel_loop3A_19 : i32 to index
      %parallel_loop3A_33 = arith.constant 16 : index
      %parallel_loop3A_34 = tpu.vector_load %arg6[%parallel_loop3A_32, %parallel_loop3A_33] {strides = array<i32>} : memref<64x128xi32, #tpu.memory_space<vmem>>, vector<16xi32>,
      %parallel_loop3A_35 = arith.constant 1073741823 : i32
      %parallel_loop3A_36 = vector.broadcast %parallel_loop3A_35 : i32 to vector<16xi32>
      %parallel_loop3A_37 = arith.andi %parallel_loop3A_34, %parallel_loop3A_36 : vector<16xi32>
      %parallel_loop3A_38 = vector.broadcast %multiple_of3A : i32 to vector<16xi32>
      %parallel_loop3A_39 = arith.subi %parallel_loop3A_37, %parallel_loop3A_38 : vector<16xi32>
      %parallel_loop3A_40 = tpu.vector_load_idx %arg5[%parallel_loop3A_39] : memref<8208xf32, #tpu.memory_space<vmem>>[vector<16xi32>], vector<16xf32>,
      %parallel_loop3A_41 = arith.index_cast %parallel_loop3A_19 : i32 to index
      %parallel_loop3A_42 = arith.constant 16 : index
      %parallel_loop3A_43 = tpu.vector_load %arg7[%parallel_loop3A_41, %parallel_loop3A_42] {strides = array<i32>} : memref<64x128xf32, #tpu.memory_space<vmem>>, vector<16xf32>,
      tpu.vector_store %arg7[%parallel_loop3A_41, %parallel_loop3A_42], %parallel_loop3A_40 {strides = array<i32>} : memref<64x128xf32, #tpu.memory_space<vmem>>, vector<16xf32>,
      %parallel_loop3A_44 = arith.index_cast %parallel_loop3A_19 : i32 to index
      %parallel_loop3A_45 = arith.constant 32 : index
      %parallel_loop3A_46 = tpu.vector_load %arg6[%parallel_loop3A_44, %parallel_loop3A_45] {strides = array<i32>} : memref<64x128xi32, #tpu.memory_space<vmem>>, vector<16xi32>,
      %parallel_loop3A_47 = arith.constant 1073741823 : i32
      %parallel_loop3A_48 = vector.broadcast %parallel_loop3A_47 : i32 to vector<16xi32>
      %parallel_loop3A_49 = arith.andi %parallel_loop3A_46, %parallel_loop3A_48 : vector<16xi32>
      %parallel_loop3A_50 = vector.broadcast %multiple_of3A : i32 to vector<16xi32>
      %parallel_loop3A_51 = arith.subi %parallel_loop3A_49, %parallel_loop3A_50 : vector<16xi32>
      %parallel_loop3A_52 = tpu.vector_load_idx %arg5[%parallel_loop3A_51] : memref<8208xf32, #tpu.memory_space<vmem>>[vector<16xi32>], vector<16xf32>,
      %parallel_loop3A_53 = arith.index_cast %parallel_loop3A_19 : i32 to index
      %parallel_loop3A_54 = arith.constant 32 : index
      %parallel_loop3A_55 = tpu.vector_load %arg7[%parallel_loop3A_53, %parallel_loop3A_54] {strides = array<i32>} : memref<64x128xf32, #tpu.memory_space<vmem>>, vector<16xf32>,
      tpu.vector_store %arg7[%parallel_loop3A_53, %parallel_loop3A_54], %parallel_loop3A_52 {strides = array<i32>} : memref<64x128xf32, #tpu.memory_space<vmem>>, vector<16xf32>,
      %parallel_loop3A_56 = arith.index_cast %parallel_loop3A_19 : i32 to index
      %parallel_loop3A_57 = arith.constant 48 : index
      %parallel_loop3A_58 = tpu.vector_load %arg6[%parallel_loop3A_56, %parallel_loop3A_57] {strides = array<i32>} : memref<64x128xi32, #tpu.memory_space<vmem>>, vector<16xi32>,
      %parallel_loop3A_59 = arith.constant 1073741823 : i32
      %parallel_loop3A_60 = vector.broadcast %parallel_loop3A_59 : i32 to vector<16xi32>
      %parallel_loop3A_61 = arith.andi %parallel_loop3A_58, %parallel_loop3A_60 : vector<16xi32>
      %parallel_loop3A_62 = vector.broadcast %multiple_of3A : i32 to vector<16xi32>
      %parallel_loop3A_63 = arith.subi %parallel_loop3A_61, %parallel_loop3A_62 : vector<16xi32>
      %parallel_loop3A_64 = tpu.vector_load_idx %arg5[%parallel_loop3A_63] : memref<8208xf32, #tpu.memory_space<vmem>>[vector<16xi32>], vector<16xf32>,
      %parallel_loop3A_65 = arith.index_cast %parallel_loop3A_19 : i32 to index
      %parallel_loop3A_66 = arith.constant 48 : index
      %parallel_loop3A_67 = tpu.vector_load %arg7[%parallel_loop3A_65, %parallel_loop3A_66] {strides = array<i32>} : memref<64x128xf32, #tpu.memory_space<vmem>>, vector<16xf32>,
      tpu.vector_store %arg7[%parallel_loop3A_65, %parallel_loop3A_66], %parallel_loop3A_64 {strides = array<i32>} : memref<64x128xf32, #tpu.memory_space<vmem>>, vector<16xf32>,
      %parallel_loop3A_68 = arith.index_cast %parallel_loop3A_19 : i32 to index
      %parallel_loop3A_69 = arith.constant 64 : index
      %parallel_loop3A_70 = tpu.vector_load %arg6[%parallel_loop3A_68, %parallel_loop3A_69] {strides = array<i32>} : memref<64x128xi32, #tpu.memory_space<vmem>>, vector<16xi32>,
      %parallel_loop3A_71 = arith.constant 1073741823 : i32
      %parallel_loop3A_72 = vector.broadcast %parallel_loop3A_71 : i32 to vector<16xi32>
      %parallel_loop3A_73 = arith.andi %parallel_loop3A_70, %parallel_loop3A_72 : vector<16xi32>
      %parallel_loop3A_74 = vector.broadcast %multiple_of3A : i32 to vector<16xi32>
      %parallel_loop3A_75 = arith.subi %parallel_loop3A_73, %parallel_loop3A_74 : vector<16xi32>
      %parallel_loop3A_76 = tpu.vector_load_idx %arg5[%parallel_loop3A_75] : memref<8208xf32, #tpu.memory_space<vmem>>[vector<16xi32>], vector<16xf32>,
      %parallel_loop3A_77 = arith.index_cast %parallel_loop3A_19 : i32 to index
      %parallel_loop3A_78 = arith.constant 64 : index
      %parallel_loop3A_79 = tpu.vector_load %arg7[%parallel_loop3A_77, %parallel_loop3A_78] {strides = array<i32>} : memref<64x128xf32, #tpu.memory_space<vmem>>, vector<16xf32>,
      tpu.vector_store %arg7[%parallel_loop3A_77, %parallel_loop3A_78], %parallel_loop3A_76 {strides = array<i32>} : memref<64x128xf32, #tpu.memory_space<vmem>>, vector<16xf32>,
      %parallel_loop3A_80 = arith.index_cast %parallel_loop3A_19 : i32 to index
      %parallel_loop3A_81 = arith.constant 80 : index
      %parallel_loop3A_82 = tpu.vector_load %arg6[%parallel_loop3A_80, %parallel_loop3A_81] {strides = array<i32>} : memref<64x128xi32, #tpu.memory_space<vmem>>, vector<16xi32>,
      %parallel_loop3A_83 = arith.constant 1073741823 : i32
      %parallel_loop3A_84 = vector.broadcast %parallel_loop3A_83 : i32 to vector<16xi32>
      %parallel_loop3A_85 = arith.andi %parallel_loop3A_82, %parallel_loop3A_84 : vector<16xi32>
      %parallel_loop3A_86 = vector.broadcast %multiple_of3A : i32 to vector<16xi32>
      %parallel_loop3A_87 = arith.subi %parallel_loop3A_85, %parallel_loop3A_86 : vector<16xi32>
      %parallel_loop3A_88 = tpu.vector_load_idx %arg5[%parallel_loop3A_87] : memref<8208xf32, #tpu.memory_space<vmem>>[vector<16xi32>], vector<16xf32>,
      %parallel_loop3A_89 = arith.index_cast %parallel_loop3A_19 : i32 to index
      %parallel_loop3A_90 = arith.constant 80 : index
      %parallel_loop3A_91 = tpu.vector_load %arg7[%parallel_loop3A_89, %parallel_loop3A_90] {strides = array<i32>} : memref<64x128xf32, #tpu.memory_space<vmem>>, vector<16xf32>,
      tpu.vector_store %arg7[%parallel_loop3A_89, %parallel_loop3A_90], %parallel_loop3A_88 {strides = array<i32>} : memref<64x128xf32, #tpu.memory_space<vmem>>, vector<16xf32>,
      %parallel_loop3A_92 = arith.index_cast %parallel_loop3A_19 : i32 to index
      %parallel_loop3A_93 = arith.constant 96 : index
      %parallel_loop3A_94 = tpu.vector_load %arg6[%parallel_loop3A_92, %parallel_loop3A_93] {strides = array<i32>} : memref<64x128xi32, #tpu.memory_space<vmem>>, vector<16xi32>,
      %parallel_loop3A_95 = arith.constant 1073741823 : i32
      %parallel_loop3A_96 = vector.broadcast %parallel_loop3A_95 : i32 to vector<16xi32>
      %parallel_loop3A_97 = arith.andi %parallel_loop3A_94, %parallel_loop3A_96 : vector<16xi32>
      %parallel_loop3A_98 = vector.broadcast %multiple_of3A : i32 to vector<16xi32>
      %parallel_loop3A_99 = arith.subi %parallel_loop3A_97, %parallel_loop3A_98 : vector<16xi32>
      %parallel_loop3A_100 = tpu.vector_load_idx %arg5[%parallel_loop3A_99] : memref<8208xf32, #tpu.memory_space<vmem>>[vector<16xi32>], vector<16xf32>,
      %parallel_loop3A_101 = arith.index_cast %parallel_loop3A_19 : i32 to index
      %parallel_loop3A_102 = arith.constant 96 : index
      %parallel_loop3A_103 = tpu.vector_load %arg7[%parallel_loop3A_101, %parallel_loop3A_102] {strides = array<i32>} : memref<64x128xf32, #tpu.memory_space<vmem>>, vector<16xf32>,
      tpu.vector_store %arg7[%parallel_loop3A_101, %parallel_loop3A_102], %parallel_loop3A_100 {strides = array<i32>} : memref<64x128xf32, #tpu.memory_space<vmem>>, vector<16xf32>,
      %parallel_loop3A_104 = arith.index_cast %parallel_loop3A_19 : i32 to index
      %parallel_loop3A_105 = arith.constant 112 : index
      %parallel_loop3A_106 = tpu.vector_load %arg6[%parallel_loop3A_104, %parallel_loop3A_105] {strides = array<i32>} : memref<64x128xi32, #tpu.memory_space<vmem>>, vector<16xi32>,
      %parallel_loop3A_107 = arith.constant 1073741823 : i32
      %parallel_loop3A_108 = vector.broadcast %parallel_loop3A_107 : i32 to vector<16xi32>
      %parallel_loop3A_109 = arith.andi %parallel_loop3A_106, %parallel_loop3A_108 : vector<16xi32>
      %parallel_loop3A_110 = vector.broadcast %multiple_of3A : i32 to vector<16xi32>
      %parallel_loop3A_111 = arith.subi %parallel_loop3A_109, %parallel_loop3A_110 : vector<16xi32>
      %parallel_loop3A_112 = tpu.vector_load_idx %arg5[%parallel_loop3A_111] : memref<8208xf32, #tpu.memory_space<vmem>>[vector<16xi32>], vector<16xf32>,
      %parallel_loop3A_113 = arith.index_cast %parallel_loop3A_19 : i32 to index
      %parallel_loop3A_114 = arith.constant 112 : index
      %parallel_loop3A_115 = tpu.vector_load %arg7[%parallel_loop3A_113, %parallel_loop3A_114] {strides = array<i32>} : memref<64x128xf32, #tpu.memory_space<vmem>>, vector<16xf32>,
      tpu.vector_store %arg7[%parallel_loop3A_113, %parallel_loop3A_114], %parallel_loop3A_112 {strides = array<i32>} : memref<64x128xf32, #tpu.memory_space<vmem>>, vector<16xf32>,
    } {sc.loop_unroll_factor = 4 : i64, sc.parallel_access}
    "tpu.region"() ({
      %run_scoped3A = tpu.sem_alloc : memref<!tpu.dma_semaphore, #tpu.memory_space<semaphore_mem>>
      %dma_start3A = arith.constant 0 : i32
      %dma_start3A_19 = tpu.memref_slice %arg4[%mul3A_2, %dma_start3A] : memref<2048x128xf32, #tpu.memory_space<hbm>> -> memref<64x128xf32, #tpu.memory_space<hbm>>
      %dma_start3A_20 = arith.constant 0 : i32
      %dma_start3A_21 = tpu.memref_slice %arg4[%mul3A_2, %dma_start3A_20] : memref<2048x128xf32, #tpu.memory_space<hbm>> -> memref<64x128xf32, #tpu.memory_space<hbm>>
      tpu.enqueue_dma source(%arg7 : memref<64x128xf32, #tpu.memory_space<vmem>>) target(%dma_start3A_21 : memref<64x128xf32, #tpu.memory_space<hbm>>) target_semaphore(%run_scoped3A : memref<!tpu.dma_semaphore, #tpu.memory_space<semaphore_mem>>)
      %dma_wait3A = arith.constant 0 : i32
      %dma_wait3A_22 = tpu.memref_slice %arg4[%mul3A_2, %dma_wait3A] : memref<2048x128xf32, #tpu.memory_space<hbm>> -> memref<64x128xf32, #tpu.memory_space<hbm>>
      %dma_wait3A_23 = arith.constant 0 : i32
      %dma_wait3A_24 = tpu.memref_slice %arg4[%mul3A_2, %dma_wait3A_23] : memref<2048x128xf32, #tpu.memory_space<hbm>> -> memref<64x128xf32, #tpu.memory_space<hbm>>
      tpu.wait_dma2 semaphore(%run_scoped3A : memref<!tpu.dma_semaphore, #tpu.memory_space<semaphore_mem>>) src(%arg7 : memref<64x128xf32, #tpu.memory_space<vmem>>) dst(%dma_wait3A_24 : memref<64x128xf32, #tpu.memory_space<hbm>>)
      tpu.yield
    }) : () -> ()
    return
  }
}

module attributes {stable_mosaic.version = 14 : i64} {
  func.func @_topn_rank_kernel(%arg0: memref<2048x128xf32, #tpu.memory_space<vmem>>, %arg1: memref<2048x128xf32, #tpu.memory_space<vmem>>, %arg2: memref<2048x128xi32, #tpu.memory_space<vmem>>) attributes {dimension_semantics = [], scalar_prefetch = 0 : i64, scratch_operands = 0 : i64, tpu.core_type = #tpu.core_type<tc>} {
    %get3A = arith.constant 0 : index
    %get3A_0 = arith.constant 0 : index
    %get3A_1 = vector.load %arg0[%get3A, %get3A_0] : memref<2048x128xf32, #tpu.memory_space<vmem>>, vector<2048x128xf32>
    %get3A_2 = arith.constant 0 : index
    %get3A_3 = arith.constant 0 : index
    %get3A_4 = vector.load %arg1[%get3A_2, %get3A_3] : memref<2048x128xf32, #tpu.memory_space<vmem>>, vector<2048x128xf32>
    %mul3A = arith.mulf %get3A_1, %get3A_4 : vector<2048x128xf32>
    %add3A = arith.constant 9.99999993E-9 : f32
    %add3A_5 = vector.broadcast %add3A : f32 to vector<2048x128xf32>
    %add3A_6 = arith.addf %mul3A, %add3A_5 : vector<2048x128xf32>
    %bitcast_convert_type3A = tpu.bitcast %add3A_6 : vector<2048x128xf32> -> vector<2048x128xi32>
    %scan3A = arith.constant 0 : i32
    %scan3A_7 = arith.constant 1 : i32
    %scan3A_8 = arith.constant 15 : i32
    %scan3A_9 = arith.addi %scan3A_7, %scan3A_8 : i32
    %scan3A_10 = arith.constant 1 : i32
    %scan3A_11 = scf.for %scan3A_113 = %scan3A_7 to %scan3A_9 step %scan3A_10 iter_args(%scan3A_114 = %scan3A) -> (i32)  : i32 {
      %mul3A_115 = arith.constant 2 : i32
      %mul3A_116 = arith.muli %mul3A_115, %scan3A_113 : i32
      %sub3A_117 = arith.constant 30 : i32
      %sub3A_118 = arith.subi %sub3A_117, %mul3A_116 : i32
      %shift_left3A = arith.constant 1 : i32
      %shift_left3A_119 = arith.shli %shift_left3A, %sub3A_118 : i32
      %or3A_120 = arith.ori %scan3A_114, %shift_left3A_119 : i32
      %shift_left3A_121 = arith.constant 2 : i32
      %shift_left3A_122 = arith.shli %shift_left3A_121, %sub3A_118 : i32
      %or3A_123 = arith.ori %scan3A_114, %shift_left3A_122 : i32
      %shift_left3A_124 = arith.constant 3 : i32
      %shift_left3A_125 = arith.shli %shift_left3A_124, %sub3A_118 : i32
      %or3A_126 = arith.ori %scan3A_114, %shift_left3A_125 : i32
      %ge3A = vector.broadcast %or3A_120 : i32 to vector<2048x128xi32>
      %ge3A_127 = arith.cmpi uge, %bitcast_convert_type3A, %ge3A : vector<2048x128xi32>
      %convert_element_type3A_128 = arith.extui %ge3A_127 : vector<2048x128xi1> to vector<2048x128xi32>
      %reduce_sum3A_129 = vector.shape_cast %convert_element_type3A_128 : vector<2048x128xi32> to vector<1x2048x128xi32>
      %reduce_sum3A_130 = arith.constant dense<0> : vector<1xi32>
      %reduce_sum3A_131 = vector.multi_reduction <add>, %reduce_sum3A_129, %reduce_sum3A_130 [1, 2] : vector<1x2048x128xi32> to vector<1xi32>
      %reduce_sum3A_132 = vector.shape_cast %reduce_sum3A_131 : vector<1xi32> to vector<1x1x1xi32>
      %reduce_sum3A_133 = vector.extract %reduce_sum3A_132[0, 0, 0] : i32 from vector<1x1x1xi32>
      %ge3A_134 = vector.broadcast %or3A_123 : i32 to vector<2048x128xi32>
      %ge3A_135 = arith.cmpi uge, %bitcast_convert_type3A, %ge3A_134 : vector<2048x128xi32>
      %convert_element_type3A_136 = arith.extui %ge3A_135 : vector<2048x128xi1> to vector<2048x128xi32>
      %reduce_sum3A_137 = vector.shape_cast %convert_element_type3A_136 : vector<2048x128xi32> to vector<1x2048x128xi32>
      %reduce_sum3A_138 = arith.constant dense<0> : vector<1xi32>
      %reduce_sum3A_139 = vector.multi_reduction <add>, %reduce_sum3A_137, %reduce_sum3A_138 [1, 2] : vector<1x2048x128xi32> to vector<1xi32>
      %reduce_sum3A_140 = vector.shape_cast %reduce_sum3A_139 : vector<1xi32> to vector<1x1x1xi32>
      %reduce_sum3A_141 = vector.extract %reduce_sum3A_140[0, 0, 0] : i32 from vector<1x1x1xi32>
      %ge3A_142 = vector.broadcast %or3A_126 : i32 to vector<2048x128xi32>
      %ge3A_143 = arith.cmpi uge, %bitcast_convert_type3A, %ge3A_142 : vector<2048x128xi32>
      %convert_element_type3A_144 = arith.extui %ge3A_143 : vector<2048x128xi1> to vector<2048x128xi32>
      %reduce_sum3A_145 = vector.shape_cast %convert_element_type3A_144 : vector<2048x128xi32> to vector<1x2048x128xi32>
      %reduce_sum3A_146 = arith.constant dense<0> : vector<1xi32>
      %reduce_sum3A_147 = vector.multi_reduction <add>, %reduce_sum3A_145, %reduce_sum3A_146 [1, 2] : vector<1x2048x128xi32> to vector<1xi32>
      %reduce_sum3A_148 = vector.shape_cast %reduce_sum3A_147 : vector<1xi32> to vector<1x1x1xi32>
      %reduce_sum3A_149 = vector.extract %reduce_sum3A_148[0, 0, 0] : i32 from vector<1x1x1xi32>
      %ge3A_150 = arith.constant 52428 : i32
      %ge3A_151 = arith.cmpi sge, %reduce_sum3A_133, %ge3A_150 : i32
      %select_n3A_152 = arith.select %ge3A_151, %or3A_120, %scan3A_114 : i32
      %ge3A_153 = arith.constant 52428 : i32
      %ge3A_154 = arith.cmpi sge, %reduce_sum3A_141, %ge3A_153 : i32
      %select_n3A_155 = arith.select %ge3A_154, %or3A_123, %select_n3A_152 : i32
      %ge3A_156 = arith.constant 52428 : i32
      %ge3A_157 = arith.cmpi sge, %reduce_sum3A_149, %ge3A_156 : i32
      %select_n3A_158 = arith.select %ge3A_157, %or3A_126, %select_n3A_155 : i32
      scf.yield %select_n3A_158 : i32
    }
    %scan3A_12 = arith.constant 15 : i32
    %gt3A = vector.broadcast %scan3A_11 : i32 to vector<2048x128xi32>
    %gt3A_13 = arith.cmpi ugt, %bitcast_convert_type3A, %gt3A : vector<2048x128xi32>
    %eq3A = vector.broadcast %scan3A_11 : i32 to vector<2048x128xi32>
    %eq3A_14 = arith.cmpi eq, %bitcast_convert_type3A, %eq3A : vector<2048x128xi32>
    %convert_element_type3A = arith.extui %gt3A_13 : vector<2048x128xi1> to vector<2048x128xi32>
    %reduce_sum3A = vector.shape_cast %convert_element_type3A : vector<2048x128xi32> to vector<1x2048x128xi32>
    %reduce_sum3A_15 = arith.constant dense<0> : vector<1xi32>
    %reduce_sum3A_16 = vector.multi_reduction <add>, %reduce_sum3A, %reduce_sum3A_15 [1, 2] : vector<1x2048x128xi32> to vector<1xi32>
    %reduce_sum3A_17 = vector.shape_cast %reduce_sum3A_16 : vector<1xi32> to vector<1x1x1xi32>
    %reduce_sum3A_18 = vector.extract %reduce_sum3A_17[0, 0, 0] : i32 from vector<1x1x1xi32>
    %sub3A = arith.constant 52428 : i32
    %sub3A_19 = arith.subi %sub3A, %reduce_sum3A_18 : i32
    %convert_element_type3A_20 = arith.sitofp %sub3A_19 : i32 to f32
    %convert_element_type3A_21 = arith.extui %gt3A_13 : vector<2048x128xi1> to vector<2048x128xi32>
    %convert_element_type3A_22 = arith.sitofp %convert_element_type3A_21 : vector<2048x128xi32> to vector<2048x128xf32>
    %convert_element_type3A_23 = arith.extui %eq3A_14 : vector<2048x128xi1> to vector<2048x128xi32>
    %convert_element_type3A_24 = arith.sitofp %convert_element_type3A_23 : vector<2048x128xi32> to vector<2048x128xf32>
    %iota3A = tpu.iota {dimensions = array<i32: 0>} : vector<128x128xi32>
    %iota3A_25 = tpu.iota {dimensions = array<i32: 1>} : vector<128x128xi32>
    %le3A = arith.cmpi sle, %iota3A, %iota3A_25 : vector<128x128xi32>
    %convert_element_type3A_26 = arith.extui %le3A : vector<128x128xi1> to vector<128x128xi32>
    %convert_element_type3A_27 = arith.sitofp %convert_element_type3A_26 : vector<128x128xi32> to vector<128x128xf32>
    %reduce_sum3A_28 = arith.constant dense<0.000000e+00> : vector<2048xf32>
    %reduce_sum3A_29 = vector.multi_reduction <add>, %convert_element_type3A_22, %reduce_sum3A_28 [1] : vector<2048x128xf32> to vector<2048xf32>
    %reshape3A = vector.shape_cast %reduce_sum3A_29 : vector<2048xf32> to vector<1x2048xf32>
    %reduce_sum3A_30 = arith.constant dense<0.000000e+00> : vector<2048xf32>
    %reduce_sum3A_31 = vector.multi_reduction <add>, %convert_element_type3A_24, %reduce_sum3A_30 [1] : vector<2048x128xf32> to vector<2048xf32>
    %reshape3A_32 = vector.shape_cast %reduce_sum3A_31 : vector<2048xf32> to vector<1x2048xf32>
    %concatenate3A = tpu.concatenate %reshape3A, %reshape3A_32 in 0 : vector<1x2048xf32>, vector<1x2048xf32> -> vector<2x2048xf32>
    %broadcast_in_dim3A = arith.constant 0.000000e+00 : f32
    %broadcast_in_dim3A_33 = vector.broadcast %broadcast_in_dim3A : f32 to vector<2x1xf32>
    %slice3A = vector.extract_strided_slice %concatenate3A {offsets = [0, 0], sizes = [2, 2047], strides = [1, 1]} : vector<2x2048xf32> to vector<2x2047xf32>
    %concatenate3A_34 = tpu.concatenate %broadcast_in_dim3A_33, %slice3A in 1 : vector<2x1xf32>, vector<2x2047xf32> -> vector<2x2048xf32>
    %broadcast_in_dim3A_35 = arith.constant 0.000000e+00 : f32
    %broadcast_in_dim3A_36 = vector.broadcast %broadcast_in_dim3A_35 : f32 to vector<2x1xf32>
    %slice3A_37 = vector.extract_strided_slice %concatenate3A_34 {offsets = [0, 0], sizes = [2, 2047], strides = [1, 1]} : vector<2x2048xf32> to vector<2x2047xf32>
    %concatenate3A_38 = tpu.concatenate %broadcast_in_dim3A_36, %slice3A_37 in 1 : vector<2x1xf32>, vector<2x2047xf32> -> vector<2x2048xf32>
    %add3A_39 = arith.addf %concatenate3A_34, %concatenate3A_38 : vector<2x2048xf32>
    %broadcast_in_dim3A_40 = arith.constant 0.000000e+00 : f32
    %broadcast_in_dim3A_41 = vector.broadcast %broadcast_in_dim3A_40 : f32 to vector<2x2xf32>
    %slice3A_42 = vector.extract_strided_slice %add3A_39 {offsets = [0, 0], sizes = [2, 2046], strides = [1, 1]} : vector<2x2048xf32> to vector<2x2046xf32>
    %concatenate3A_43 = tpu.concatenate %broadcast_in_dim3A_41, %slice3A_42 in 1 : vector<2x2xf32>, vector<2x2046xf32> -> vector<2x2048xf32>
    %add3A_44 = arith.addf %add3A_39, %concatenate3A_43 : vector<2x2048xf32>
    %broadcast_in_dim3A_45 = arith.constant 0.000000e+00 : f32
    %broadcast_in_dim3A_46 = vector.broadcast %broadcast_in_dim3A_45 : f32 to vector<2x4xf32>
    %slice3A_47 = vector.extract_strided_slice %add3A_44 {offsets = [0, 0], sizes = [2, 2044], strides = [1, 1]} : vector<2x2048xf32> to vector<2x2044xf32>
    %concatenate3A_48 = tpu.concatenate %broadcast_in_dim3A_46, %slice3A_47 in 1 : vector<2x4xf32>, vector<2x2044xf32> -> vector<2x2048xf32>
    %add3A_49 = arith.addf %add3A_44, %concatenate3A_48 : vector<2x2048xf32>
    %broadcast_in_dim3A_50 = arith.constant 0.000000e+00 : f32
    %broadcast_in_dim3A_51 = vector.broadcast %broadcast_in_dim3A_50 : f32 to vector<2x8xf32>
    %slice3A_52 = vector.extract_strided_slice %add3A_49 {offsets = [0, 0], sizes = [2, 2040], strides = [1, 1]} : vector<2x2048xf32> to vector<2x2040xf32>
    %concatenate3A_53 = tpu.concatenate %broadcast_in_dim3A_51, %slice3A_52 in 1 : vector<2x8xf32>, vector<2x2040xf32> -> vector<2x2048xf32>
    %add3A_54 = arith.addf %add3A_49, %concatenate3A_53 : vector<2x2048xf32>
    %broadcast_in_dim3A_55 = arith.constant 0.000000e+00 : f32
    %broadcast_in_dim3A_56 = vector.broadcast %broadcast_in_dim3A_55 : f32 to vector<2x16xf32>
    %slice3A_57 = vector.extract_strided_slice %add3A_54 {offsets = [0, 0], sizes = [2, 2032], strides = [1, 1]} : vector<2x2048xf32> to vector<2x2032xf32>
    %concatenate3A_58 = tpu.concatenate %broadcast_in_dim3A_56, %slice3A_57 in 1 : vector<2x16xf32>, vector<2x2032xf32> -> vector<2x2048xf32>
    %add3A_59 = arith.addf %add3A_54, %concatenate3A_58 : vector<2x2048xf32>
    %broadcast_in_dim3A_60 = arith.constant 0.000000e+00 : f32
    %broadcast_in_dim3A_61 = vector.broadcast %broadcast_in_dim3A_60 : f32 to vector<2x32xf32>
    %slice3A_62 = vector.extract_strided_slice %add3A_59 {offsets = [0, 0], sizes = [2, 2016], strides = [1, 1]} : vector<2x2048xf32> to vector<2x2016xf32>
    %concatenate3A_63 = tpu.concatenate %broadcast_in_dim3A_61, %slice3A_62 in 1 : vector<2x32xf32>, vector<2x2016xf32> -> vector<2x2048xf32>
    %add3A_64 = arith.addf %add3A_59, %concatenate3A_63 : vector<2x2048xf32>
    %broadcast_in_dim3A_65 = arith.constant 0.000000e+00 : f32
    %broadcast_in_dim3A_66 = vector.broadcast %broadcast_in_dim3A_65 : f32 to vector<2x64xf32>
    %slice3A_67 = vector.extract_strided_slice %add3A_64 {offsets = [0, 0], sizes = [2, 1984], strides = [1, 1]} : vector<2x2048xf32> to vector<2x1984xf32>
    %concatenate3A_68 = tpu.concatenate %broadcast_in_dim3A_66, %slice3A_67 in 1 : vector<2x64xf32>, vector<2x1984xf32> -> vector<2x2048xf32>
    %add3A_69 = arith.addf %add3A_64, %concatenate3A_68 : vector<2x2048xf32>
    %broadcast_in_dim3A_70 = arith.constant 0.000000e+00 : f32
    %broadcast_in_dim3A_71 = vector.broadcast %broadcast_in_dim3A_70 : f32 to vector<2x128xf32>
    %slice3A_72 = vector.extract_strided_slice %add3A_69 {offsets = [0, 0], sizes = [2, 1920], strides = [1, 1]} : vector<2x2048xf32> to vector<2x1920xf32>
    %concatenate3A_73 = tpu.concatenate %broadcast_in_dim3A_71, %slice3A_72 in 1 : vector<2x128xf32>, vector<2x1920xf32> -> vector<2x2048xf32>
    %add3A_74 = arith.addf %add3A_69, %concatenate3A_73 : vector<2x2048xf32>
    %broadcast_in_dim3A_75 = arith.constant 0.000000e+00 : f32
    %broadcast_in_dim3A_76 = vector.broadcast %broadcast_in_dim3A_75 : f32 to vector<2x256xf32>
    %slice3A_77 = vector.extract_strided_slice %add3A_74 {offsets = [0, 0], sizes = [2, 1792], strides = [1, 1]} : vector<2x2048xf32> to vector<2x1792xf32>
    %concatenate3A_78 = tpu.concatenate %broadcast_in_dim3A_76, %slice3A_77 in 1 : vector<2x256xf32>, vector<2x1792xf32> -> vector<2x2048xf32>
    %add3A_79 = arith.addf %add3A_74, %concatenate3A_78 : vector<2x2048xf32>
    %broadcast_in_dim3A_80 = arith.constant 0.000000e+00 : f32
    %broadcast_in_dim3A_81 = vector.broadcast %broadcast_in_dim3A_80 : f32 to vector<2x512xf32>
    %slice3A_82 = vector.extract_strided_slice %add3A_79 {offsets = [0, 0], sizes = [2, 1536], strides = [1, 1]} : vector<2x2048xf32> to vector<2x1536xf32>
    %concatenate3A_83 = tpu.concatenate %broadcast_in_dim3A_81, %slice3A_82 in 1 : vector<2x512xf32>, vector<2x1536xf32> -> vector<2x2048xf32>
    %add3A_84 = arith.addf %add3A_79, %concatenate3A_83 : vector<2x2048xf32>
    %broadcast_in_dim3A_85 = arith.constant 0.000000e+00 : f32
    %broadcast_in_dim3A_86 = vector.broadcast %broadcast_in_dim3A_85 : f32 to vector<2x1024xf32>
    %slice3A_87 = vector.extract_strided_slice %add3A_84 {offsets = [0, 0], sizes = [2, 1024], strides = [1, 1]} : vector<2x2048xf32> to vector<2x1024xf32>
    %concatenate3A_88 = tpu.concatenate %broadcast_in_dim3A_86, %slice3A_87 in 1 : vector<2x1024xf32>, vector<2x1024xf32> -> vector<2x2048xf32>
    %add3A_89 = arith.addf %add3A_84, %concatenate3A_88 : vector<2x2048xf32>
    %dot_general3A = arith.constant dense<0.000000e+00> : vector<2048x128xf32>
    %dot_general3A_90 = tpu.matmul %convert_element_type3A_22, %convert_element_type3A_27, %dot_general3A {dimension_numbers = #tpu.dot_dimension_numbers<[1], [0], [0], [1], [0, 0, 1, 1], [], []>, transpose_lhs_hint = false} : vector<2048x128xf32>, vector<128x128xf32>, vector<2048x128xf32> -> vector<2048x128xf32>
    %sub3A_91 = arith.subf %dot_general3A_90, %convert_element_type3A_22 : vector<2048x128xf32>
    %slice3A_92 = vector.extract_strided_slice %add3A_89 {offsets = [0, 0], sizes = [1, 2048], strides = [1, 1]} : vector<2x2048xf32> to vector<1x2048xf32>
    %squeeze3A = vector.shape_cast %slice3A_92 : vector<1x2048xf32> to vector<2048xf32>
    %reshape3A_93 = vector.shape_cast %squeeze3A : vector<2048xf32> to vector<2048x1xf32>
    %add3A_94 = vector.broadcast %reshape3A_93 : vector<2048x1xf32> to vector<2048x128xf32>
    %add3A_95 = arith.addf %sub3A_91, %add3A_94 : vector<2048x128xf32>
    %dot_general3A_96 = arith.constant dense<0.000000e+00> : vector<2048x128xf32>
    %dot_general3A_97 = tpu.matmul %convert_element_type3A_24, %convert_element_type3A_27, %dot_general3A_96 {dimension_numbers = #tpu.dot_dimension_numbers<[1], [0], [0], [1], [0, 0, 1, 1], [], []>, transpose_lhs_hint = false} : vector<2048x128xf32>, vector<128x128xf32>, vector<2048x128xf32> -> vector<2048x128xf32>
    %sub3A_98 = arith.subf %dot_general3A_97, %convert_element_type3A_24 : vector<2048x128xf32>
    %slice3A_99 = vector.extract_strided_slice %add3A_89 {offsets = [1, 0], sizes = [1, 2048], strides = [1, 1]} : vector<2x2048xf32> to vector<1x2048xf32>
    %squeeze3A_100 = vector.shape_cast %slice3A_99 : vector<1x2048xf32> to vector<2048xf32>
    %reshape3A_101 = vector.shape_cast %squeeze3A_100 : vector<2048xf32> to vector<2048x1xf32>
    %add3A_102 = vector.broadcast %reshape3A_101 : vector<2048x1xf32> to vector<2048x128xf32>
    %add3A_103 = arith.addf %sub3A_98, %add3A_102 : vector<2048x128xf32>
    %lt3A = vector.broadcast %convert_element_type3A_20 : f32 to vector<2048x128xf32>
    %lt3A_104 = arith.cmpf olt, %add3A_103, %lt3A : vector<2048x128xf32>
    %and3A = arith.andi %eq3A_14, %lt3A_104 : vector<2048x128xi1>
    %or3A = arith.ori %gt3A_13, %and3A : vector<2048x128xi1>
    %min3A = vector.broadcast %convert_element_type3A_20 : f32 to vector<2048x128xf32>
    %min3A_105 = arith.minimumf %add3A_103, %min3A : vector<2048x128xf32>
    %add3A_106 = arith.addf %add3A_95, %min3A_105 : vector<2048x128xf32>
    %convert_element_type3A_107 = arith.fptosi %add3A_106 : vector<2048x128xf32> to vector<2048x128xi32>
    %or3A_108 = arith.constant 1073741824 : i32
    %or3A_109 = vector.broadcast %or3A_108 : i32 to vector<2048x128xi32>
    %or3A_110 = arith.ori %convert_element_type3A_107, %or3A_109 : vector<2048x128xi32>
    %select_n3A = arith.select %or3A, %convert_element_type3A_107, %or3A_110 : vector<2048x128xi1>, vector<2048x128xi32>
    %swap3A = arith.constant 0 : index
    %swap3A_111 = arith.constant 0 : index
    %swap3A_112 = vector.load %arg2[%swap3A, %swap3A_111] : memref<2048x128xi32, #tpu.memory_space<vmem>>, vector<2048x128xi32>
    tpu.vector_store %arg2[%swap3A, %swap3A_111], %select_n3A {strides = array<i32>} : memref<2048x128xi32, #tpu.memory_space<vmem>>, vector<2048x128xi32>,
    return
  }
}

module attributes {stable_mosaic.version = 14 : i64} {
  func.func @_select_kernel(%arg0: memref<2048x128xf32, #tpu.memory_space<vmem>>, %arg1: memref<2048x128xf32, #tpu.memory_space<vmem>>, %arg2: memref<2048x128xi32, #tpu.memory_space<vmem>>, %arg3: memref<2048x128xf32, #tpu.memory_space<vmem>>, %arg4: memref<2048x128xf32, #tpu.memory_space<vmem>>, %arg5: memref<2048x128xf32, #tpu.memory_space<vmem>>) attributes {dimension_semantics = [], scalar_prefetch = 0 : i64, scratch_operands = 0 : i64, tpu.core_type = #tpu.core_type<tc>} {
    %get3A = arith.constant 0 : index
    %get3A_0 = arith.constant 0 : index
    %get3A_1 = vector.load %arg0[%get3A, %get3A_0] : memref<2048x128xf32, #tpu.memory_space<vmem>>, vector<2048x128xf32>
    %get3A_2 = arith.constant 0 : index
    %get3A_3 = arith.constant 0 : index
    %get3A_4 = vector.load %arg1[%get3A_2, %get3A_3] : memref<2048x128xf32, #tpu.memory_space<vmem>>, vector<2048x128xf32>
    %mul3A = arith.mulf %get3A_1, %get3A_4 : vector<2048x128xf32>
    %add3A = arith.constant 9.99999993E-9 : f32
    %add3A_5 = vector.broadcast %add3A : f32 to vector<2048x128xf32>
    %add3A_6 = arith.addf %mul3A, %add3A_5 : vector<2048x128xf32>
    %get3A_7 = arith.constant 0 : index
    %get3A_8 = arith.constant 0 : index
    %get3A_9 = vector.load %arg2[%get3A_7, %get3A_8] : memref<2048x128xi32, #tpu.memory_space<vmem>>, vector<2048x128xi32>
    %lt3A = arith.constant 1073741824 : i32
    %lt3A_10 = vector.broadcast %lt3A : i32 to vector<2048x128xi32>
    %lt3A_11 = arith.cmpi slt, %get3A_9, %lt3A_10 : vector<2048x128xi32>
    %log3A = math.log %add3A_6 : vector<2048x128xf32>
    %get3A_12 = arith.constant 0 : index
    %get3A_13 = arith.constant 0 : index
    %get3A_14 = vector.load %arg3[%get3A_12, %get3A_13] : memref<2048x128xf32, #tpu.memory_space<vmem>>, vector<2048x128xf32>
    %add3A_15 = arith.addf %log3A, %get3A_14 : vector<2048x128xf32>
    %jit3A = arith.constant -1.000000e+30 : f32
    %broadcast_in_dim3A = vector.broadcast %jit3A : f32 to vector<2048x128xf32>
    %select_n3A = arith.select %lt3A_11, %add3A_15, %broadcast_in_dim3A : vector<2048x128xi1>, vector<2048x128xf32>
    %bitcast_convert_type3A = tpu.bitcast %select_n3A : vector<2048x128xf32> -> vector<2048x128xi32>
    %bitcast_convert_type3A_16 = tpu.bitcast %select_n3A : vector<2048x128xf32> -> vector<2048x128xi32>
    %ge3A = arith.constant 0 : i32
    %ge3A_17 = vector.broadcast %ge3A : i32 to vector<2048x128xi32>
    %ge3A_18 = arith.cmpi sge, %bitcast_convert_type3A, %ge3A_17 : vector<2048x128xi32>
    %or3A = arith.constant -2147483648 : i32
    %or3A_19 = vector.broadcast %or3A : i32 to vector<2048x128xi32>
    %or3A_20 = arith.ori %bitcast_convert_type3A_16, %or3A_19 : vector<2048x128xi32>
    %not3A = arith.constant dense<-1> : vector<2048x128xi32>
    %not3A_21 = arith.xori %bitcast_convert_type3A_16, %not3A : vector<2048x128xi32>
    %select_n3A_22 = arith.select %ge3A_18, %or3A_20, %not3A_21 : vector<2048x128xi1>, vector<2048x128xi32>
    %scan3A = arith.constant 0 : i32
    %scan3A_23 = arith.constant 0 : i32
    %scan3A_24 = arith.constant 16 : i32
    %scan3A_25 = arith.addi %scan3A_23, %scan3A_24 : i32
    %scan3A_26 = arith.constant 1 : i32
    %scan3A_27 = scf.for %scan3A_117 = %scan3A_23 to %scan3A_25 step %scan3A_26 iter_args(%scan3A_118 = %scan3A) -> (i32)  : i32 {
      %mul3A_119 = arith.constant 2 : i32
      %mul3A_120 = arith.muli %mul3A_119, %scan3A_117 : i32
      %sub3A_121 = arith.constant 30 : i32
      %sub3A_122 = arith.subi %sub3A_121, %mul3A_120 : i32
      %shift_left3A = arith.constant 1 : i32
      %shift_left3A_123 = arith.shli %shift_left3A, %sub3A_122 : i32
      %or3A_124 = arith.ori %scan3A_118, %shift_left3A_123 : i32
      %shift_left3A_125 = arith.constant 2 : i32
      %shift_left3A_126 = arith.shli %shift_left3A_125, %sub3A_122 : i32
      %or3A_127 = arith.ori %scan3A_118, %shift_left3A_126 : i32
      %shift_left3A_128 = arith.constant 3 : i32
      %shift_left3A_129 = arith.shli %shift_left3A_128, %sub3A_122 : i32
      %or3A_130 = arith.ori %scan3A_118, %shift_left3A_129 : i32
      %ge3A_131 = vector.broadcast %or3A_124 : i32 to vector<2048x128xi32>
      %ge3A_132 = arith.cmpi uge, %select_n3A_22, %ge3A_131 : vector<2048x128xi32>
      %convert_element_type3A_133 = arith.extui %ge3A_132 : vector<2048x128xi1> to vector<2048x128xi32>
      %reduce_sum3A_134 = vector.shape_cast %convert_element_type3A_133 : vector<2048x128xi32> to vector<1x2048x128xi32>
      %reduce_sum3A_135 = arith.constant dense<0> : vector<1xi32>
      %reduce_sum3A_136 = vector.multi_reduction <add>, %reduce_sum3A_134, %reduce_sum3A_135 [1, 2] : vector<1x2048x128xi32> to vector<1xi32>
      %reduce_sum3A_137 = vector.shape_cast %reduce_sum3A_136 : vector<1xi32> to vector<1x1x1xi32>
      %reduce_sum3A_138 = vector.extract %reduce_sum3A_137[0, 0, 0] : i32 from vector<1x1x1xi32>
      %ge3A_139 = vector.broadcast %or3A_127 : i32 to vector<2048x128xi32>
      %ge3A_140 = arith.cmpi uge, %select_n3A_22, %ge3A_139 : vector<2048x128xi32>
      %convert_element_type3A_141 = arith.extui %ge3A_140 : vector<2048x128xi1> to vector<2048x128xi32>
      %reduce_sum3A_142 = vector.shape_cast %convert_element_type3A_141 : vector<2048x128xi32> to vector<1x2048x128xi32>
      %reduce_sum3A_143 = arith.constant dense<0> : vector<1xi32>
      %reduce_sum3A_144 = vector.multi_reduction <add>, %reduce_sum3A_142, %reduce_sum3A_143 [1, 2] : vector<1x2048x128xi32> to vector<1xi32>
      %reduce_sum3A_145 = vector.shape_cast %reduce_sum3A_144 : vector<1xi32> to vector<1x1x1xi32>
      %reduce_sum3A_146 = vector.extract %reduce_sum3A_145[0, 0, 0] : i32 from vector<1x1x1xi32>
      %ge3A_147 = vector.broadcast %or3A_130 : i32 to vector<2048x128xi32>
      %ge3A_148 = arith.cmpi uge, %select_n3A_22, %ge3A_147 : vector<2048x128xi32>
      %convert_element_type3A_149 = arith.extui %ge3A_148 : vector<2048x128xi1> to vector<2048x128xi32>
      %reduce_sum3A_150 = vector.shape_cast %convert_element_type3A_149 : vector<2048x128xi32> to vector<1x2048x128xi32>
      %reduce_sum3A_151 = arith.constant dense<0> : vector<1xi32>
      %reduce_sum3A_152 = vector.multi_reduction <add>, %reduce_sum3A_150, %reduce_sum3A_151 [1, 2] : vector<1x2048x128xi32> to vector<1xi32>
      %reduce_sum3A_153 = vector.shape_cast %reduce_sum3A_152 : vector<1xi32> to vector<1x1x1xi32>
      %reduce_sum3A_154 = vector.extract %reduce_sum3A_153[0, 0, 0] : i32 from vector<1x1x1xi32>
      %ge3A_155 = arith.constant 1000 : i32
      %ge3A_156 = arith.cmpi sge, %reduce_sum3A_138, %ge3A_155 : i32
      %select_n3A_157 = arith.select %ge3A_156, %or3A_124, %scan3A_118 : i32
      %ge3A_158 = arith.constant 1000 : i32
      %ge3A_159 = arith.cmpi sge, %reduce_sum3A_146, %ge3A_158 : i32
      %select_n3A_160 = arith.select %ge3A_159, %or3A_127, %select_n3A_157 : i32
      %ge3A_161 = arith.constant 1000 : i32
      %ge3A_162 = arith.cmpi sge, %reduce_sum3A_154, %ge3A_161 : i32
      %select_n3A_163 = arith.select %ge3A_162, %or3A_130, %select_n3A_160 : i32
      scf.yield %select_n3A_163 : i32
    }
    %scan3A_28 = arith.constant 16 : i32
    %gt3A = vector.broadcast %scan3A_27 : i32 to vector<2048x128xi32>
    %gt3A_29 = arith.cmpi ugt, %select_n3A_22, %gt3A : vector<2048x128xi32>
    %eq3A = vector.broadcast %scan3A_27 : i32 to vector<2048x128xi32>
    %eq3A_30 = arith.cmpi eq, %select_n3A_22, %eq3A : vector<2048x128xi32>
    %convert_element_type3A = arith.extui %gt3A_29 : vector<2048x128xi1> to vector<2048x128xi32>
    %reduce_sum3A = vector.shape_cast %convert_element_type3A : vector<2048x128xi32> to vector<1x2048x128xi32>
    %reduce_sum3A_31 = arith.constant dense<0> : vector<1xi32>
    %reduce_sum3A_32 = vector.multi_reduction <add>, %reduce_sum3A, %reduce_sum3A_31 [1, 2] : vector<1x2048x128xi32> to vector<1xi32>
    %reduce_sum3A_33 = vector.shape_cast %reduce_sum3A_32 : vector<1xi32> to vector<1x1x1xi32>
    %reduce_sum3A_34 = vector.extract %reduce_sum3A_33[0, 0, 0] : i32 from vector<1x1x1xi32>
    %sub3A = arith.constant 1000 : i32
    %sub3A_35 = arith.subi %sub3A, %reduce_sum3A_34 : i32
    %convert_element_type3A_36 = arith.sitofp %sub3A_35 : i32 to f32
    %convert_element_type3A_37 = arith.extui %eq3A_30 : vector<2048x128xi1> to vector<2048x128xi32>
    %convert_element_type3A_38 = arith.sitofp %convert_element_type3A_37 : vector<2048x128xi32> to vector<2048x128xf32>
    %iota3A = tpu.iota {dimensions = array<i32: 0>} : vector<128x128xi32>
    %iota3A_39 = tpu.iota {dimensions = array<i32: 1>} : vector<128x128xi32>
    %le3A = arith.cmpi sle, %iota3A, %iota3A_39 : vector<128x128xi32>
    %convert_element_type3A_40 = arith.extui %le3A : vector<128x128xi1> to vector<128x128xi32>
    %convert_element_type3A_41 = arith.sitofp %convert_element_type3A_40 : vector<128x128xi32> to vector<128x128xf32>
    %reduce_sum3A_42 = arith.constant dense<0.000000e+00> : vector<2048xf32>
    %reduce_sum3A_43 = vector.multi_reduction <add>, %convert_element_type3A_38, %reduce_sum3A_42 [1] : vector<2048x128xf32> to vector<2048xf32>
    %reshape3A = vector.shape_cast %reduce_sum3A_43 : vector<2048xf32> to vector<1x2048xf32>
    %broadcast_in_dim3A_44 = arith.constant 0.000000e+00 : f32
    %broadcast_in_dim3A_45 = vector.broadcast %broadcast_in_dim3A_44 : f32 to vector<1x1xf32>
    %slice3A = vector.extract_strided_slice %reshape3A {offsets = [0, 0], sizes = [1, 2047], strides = [1, 1]} : vector<1x2048xf32> to vector<1x2047xf32>
    %concatenate3A = tpu.concatenate %broadcast_in_dim3A_45, %slice3A in 1 : vector<1x1xf32>, vector<1x2047xf32> -> vector<1x2048xf32>
    %broadcast_in_dim3A_46 = arith.constant 0.000000e+00 : f32
    %broadcast_in_dim3A_47 = vector.broadcast %broadcast_in_dim3A_46 : f32 to vector<1x1xf32>
    %slice3A_48 = vector.extract_strided_slice %concatenate3A {offsets = [0, 0], sizes = [1, 2047], strides = [1, 1]} : vector<1x2048xf32> to vector<1x2047xf32>
    %concatenate3A_49 = tpu.concatenate %broadcast_in_dim3A_47, %slice3A_48 in 1 : vector<1x1xf32>, vector<1x2047xf32> -> vector<1x2048xf32>
    %add3A_50 = arith.addf %concatenate3A, %concatenate3A_49 : vector<1x2048xf32>
    %broadcast_in_dim3A_51 = arith.constant 0.000000e+00 : f32
    %broadcast_in_dim3A_52 = vector.broadcast %broadcast_in_dim3A_51 : f32 to vector<1x2xf32>
    %slice3A_53 = vector.extract_strided_slice %add3A_50 {offsets = [0, 0], sizes = [1, 2046], strides = [1, 1]} : vector<1x2048xf32> to vector<1x2046xf32>
    %concatenate3A_54 = tpu.concatenate %broadcast_in_dim3A_52, %slice3A_53 in 1 : vector<1x2xf32>, vector<1x2046xf32> -> vector<1x2048xf32>
    %add3A_55 = arith.addf %add3A_50, %concatenate3A_54 : vector<1x2048xf32>
    %broadcast_in_dim3A_56 = arith.constant 0.000000e+00 : f32
    %broadcast_in_dim3A_57 = vector.broadcast %broadcast_in_dim3A_56 : f32 to vector<1x4xf32>
    %slice3A_58 = vector.extract_strided_slice %add3A_55 {offsets = [0, 0], sizes = [1, 2044], strides = [1, 1]} : vector<1x2048xf32> to vector<1x2044xf32>
    %concatenate3A_59 = tpu.concatenate %broadcast_in_dim3A_57, %slice3A_58 in 1 : vector<1x4xf32>, vector<1x2044xf32> -> vector<1x2048xf32>
    %add3A_60 = arith.addf %add3A_55, %concatenate3A_59 : vector<1x2048xf32>
    %broadcast_in_dim3A_61 = arith.constant 0.000000e+00 : f32
    %broadcast_in_dim3A_62 = vector.broadcast %broadcast_in_dim3A_61 : f32 to vector<1x8xf32>
    %slice3A_63 = vector.extract_strided_slice %add3A_60 {offsets = [0, 0], sizes = [1, 2040], strides = [1, 1]} : vector<1x2048xf32> to vector<1x2040xf32>
    %concatenate3A_64 = tpu.concatenate %broadcast_in_dim3A_62, %slice3A_63 in 1 : vector<1x8xf32>, vector<1x2040xf32> -> vector<1x2048xf32>
    %add3A_65 = arith.addf %add3A_60, %concatenate3A_64 : vector<1x2048xf32>
    %broadcast_in_dim3A_66 = arith.constant 0.000000e+00 : f32
    %broadcast_in_dim3A_67 = vector.broadcast %broadcast_in_dim3A_66 : f32 to vector<1x16xf32>
    %slice3A_68 = vector.extract_strided_slice %add3A_65 {offsets = [0, 0], sizes = [1, 2032], strides = [1, 1]} : vector<1x2048xf32> to vector<1x2032xf32>
    %concatenate3A_69 = tpu.concatenate %broadcast_in_dim3A_67, %slice3A_68 in 1 : vector<1x16xf32>, vector<1x2032xf32> -> vector<1x2048xf32>
    %add3A_70 = arith.addf %add3A_65, %concatenate3A_69 : vector<1x2048xf32>
    %broadcast_in_dim3A_71 = arith.constant 0.000000e+00 : f32
    %broadcast_in_dim3A_72 = vector.broadcast %broadcast_in_dim3A_71 : f32 to vector<1x32xf32>
    %slice3A_73 = vector.extract_strided_slice %add3A_70 {offsets = [0, 0], sizes = [1, 2016], strides = [1, 1]} : vector<1x2048xf32> to vector<1x2016xf32>
    %concatenate3A_74 = tpu.concatenate %broadcast_in_dim3A_72, %slice3A_73 in 1 : vector<1x32xf32>, vector<1x2016xf32> -> vector<1x2048xf32>
    %add3A_75 = arith.addf %add3A_70, %concatenate3A_74 : vector<1x2048xf32>
    %broadcast_in_dim3A_76 = arith.constant 0.000000e+00 : f32
    %broadcast_in_dim3A_77 = vector.broadcast %broadcast_in_dim3A_76 : f32 to vector<1x64xf32>
    %slice3A_78 = vector.extract_strided_slice %add3A_75 {offsets = [0, 0], sizes = [1, 1984], strides = [1, 1]} : vector<1x2048xf32> to vector<1x1984xf32>
    %concatenate3A_79 = tpu.concatenate %broadcast_in_dim3A_77, %slice3A_78 in 1 : vector<1x64xf32>, vector<1x1984xf32> -> vector<1x2048xf32>
    %add3A_80 = arith.addf %add3A_75, %concatenate3A_79 : vector<1x2048xf32>
    %broadcast_in_dim3A_81 = arith.constant 0.000000e+00 : f32
    %broadcast_in_dim3A_82 = vector.broadcast %broadcast_in_dim3A_81 : f32 to vector<1x128xf32>
    %slice3A_83 = vector.extract_strided_slice %add3A_80 {offsets = [0, 0], sizes = [1, 1920], strides = [1, 1]} : vector<1x2048xf32> to vector<1x1920xf32>
    %concatenate3A_84 = tpu.concatenate %broadcast_in_dim3A_82, %slice3A_83 in 1 : vector<1x128xf32>, vector<1x1920xf32> -> vector<1x2048xf32>
    %add3A_85 = arith.addf %add3A_80, %concatenate3A_84 : vector<1x2048xf32>
    %broadcast_in_dim3A_86 = arith.constant 0.000000e+00 : f32
    %broadcast_in_dim3A_87 = vector.broadcast %broadcast_in_dim3A_86 : f32 to vector<1x256xf32>
    %slice3A_88 = vector.extract_strided_slice %add3A_85 {offsets = [0, 0], sizes = [1, 1792], strides = [1, 1]} : vector<1x2048xf32> to vector<1x1792xf32>
    %concatenate3A_89 = tpu.concatenate %broadcast_in_dim3A_87, %slice3A_88 in 1 : vector<1x256xf32>, vector<1x1792xf32> -> vector<1x2048xf32>
    %add3A_90 = arith.addf %add3A_85, %concatenate3A_89 : vector<1x2048xf32>
    %broadcast_in_dim3A_91 = arith.constant 0.000000e+00 : f32
    %broadcast_in_dim3A_92 = vector.broadcast %broadcast_in_dim3A_91 : f32 to vector<1x512xf32>
    %slice3A_93 = vector.extract_strided_slice %add3A_90 {offsets = [0, 0], sizes = [1, 1536], strides = [1, 1]} : vector<1x2048xf32> to vector<1x1536xf32>
    %concatenate3A_94 = tpu.concatenate %broadcast_in_dim3A_92, %slice3A_93 in 1 : vector<1x512xf32>, vector<1x1536xf32> -> vector<1x2048xf32>
    %add3A_95 = arith.addf %add3A_90, %concatenate3A_94 : vector<1x2048xf32>
    %broadcast_in_dim3A_96 = arith.constant 0.000000e+00 : f32
    %broadcast_in_dim3A_97 = vector.broadcast %broadcast_in_dim3A_96 : f32 to vector<1x1024xf32>
    %slice3A_98 = vector.extract_strided_slice %add3A_95 {offsets = [0, 0], sizes = [1, 1024], strides = [1, 1]} : vector<1x2048xf32> to vector<1x1024xf32>
    %concatenate3A_99 = tpu.concatenate %broadcast_in_dim3A_97, %slice3A_98 in 1 : vector<1x1024xf32>, vector<1x1024xf32> -> vector<1x2048xf32>
    %add3A_100 = arith.addf %add3A_95, %concatenate3A_99 : vector<1x2048xf32>
    %dot_general3A = arith.constant dense<0.000000e+00> : vector<2048x128xf32>
    %dot_general3A_101 = tpu.matmul %convert_element_type3A_38, %convert_element_type3A_41, %dot_general3A {dimension_numbers = #tpu.dot_dimension_numbers<[1], [0], [0], [1], [0, 0, 1, 1], [], []>, transpose_lhs_hint = false} : vector<2048x128xf32>, vector<128x128xf32>, vector<2048x128xf32> -> vector<2048x128xf32>
    %sub3A_102 = arith.subf %dot_general3A_101, %convert_element_type3A_38 : vector<2048x128xf32>
    %squeeze3A = vector.shape_cast %add3A_100 : vector<1x2048xf32> to vector<2048xf32>
    %reshape3A_103 = vector.shape_cast %squeeze3A : vector<2048xf32> to vector<2048x1xf32>
    %add3A_104 = vector.broadcast %reshape3A_103 : vector<2048x1xf32> to vector<2048x128xf32>
    %add3A_105 = arith.addf %sub3A_102, %add3A_104 : vector<2048x128xf32>
    %lt3A_106 = vector.broadcast %convert_element_type3A_36 : f32 to vector<2048x128xf32>
    %lt3A_107 = arith.cmpf olt, %add3A_105, %lt3A_106 : vector<2048x128xf32>
    %and3A = arith.andi %eq3A_30, %lt3A_107 : vector<2048x128xi1>
    %or3A_108 = arith.ori %gt3A_29, %and3A : vector<2048x128xi1>
    %get3A_109 = arith.constant 0 : index
    %get3A_110 = arith.constant 0 : index
    %get3A_111 = vector.load %arg4[%get3A_109, %get3A_110] : memref<2048x128xf32, #tpu.memory_space<vmem>>, vector<2048x128xf32>
    %jit3A_112 = arith.constant 1.000000e+00 : f32
    %broadcast_in_dim3A_113 = vector.broadcast %jit3A_112 : f32 to vector<2048x128xf32>
    %select_n3A_114 = arith.select %or3A_108, %broadcast_in_dim3A_113, %get3A_111 : vector<2048x128xi1>, vector<2048x128xf32>
    %swap3A = arith.constant 0 : index
    %swap3A_115 = arith.constant 0 : index
    %swap3A_116 = vector.load %arg5[%swap3A, %swap3A_115] : memref<2048x128xf32, #tpu.memory_space<vmem>>, vector<2048x128xf32>
    tpu.vector_store %arg5[%swap3A, %swap3A_115], %select_n3A_114 {strides = array<i32>} : memref<2048x128xf32, #tpu.memory_space<vmem>>, vector<2048x128xf32>,
    return
  }
}

</mosaic_0001>

<sc_bundles>
// kernel: kernel.5.cloned.1.call-start
scs
__scs_entry_jumppad:
0x0: {  	(pc) =	sbr.rel $0x88, $3  }
0x1: {  	(tag) =	ssettag $0x0;
	lr =	simm.s32 $0x1  }
0x2: {  	[smem:$0x3F9E] =	sst lr;
	_ =	strace $0xD0000000  }
0x3: {  	_ = 	snop  }
0x4: {  	_ = 	snop  }
0x5: {  	_ = 	snop  }
0x6: {  	_ = 	snop  }
0x7: {  	_ = 	snop  }
__scs_overlays_trampoline_lowered:
0x8: {  	[smem:$0x3FAD] =	sst s0  }
0x9: {  	[smem:$0x3FAE] =	sst s1  }
0xa: {  	[smem:$0x3FAF] =	sst s2  }
0xb: {  	[smem:$0x3FB0] =	sst s3  }
0xc: {  	[smem:$0x3FB1] =	sst s4  }
0xd: {  	[smem:$0x3FB2] =	sst s5  }
0xe: {  	[smem:$0x3FB3] =	sst s6  }
0xf: {  	[smem:$0x3FB4] =	sst s7  }
0x10: {  	[smem:$0x3FB5] =	sst s8  }
0x11: {  	[smem:$0x3FB6] =	sst s9;
	s0 =	simm.s32 @!p0 $0x0  }
0x12: {  	s1 =	sld [smem:$0x3F9C];
	s0 =	simm.s32 @p0 $0x1  }
0x13: {  	[smem:$0x3FB7] =	sst s0;
	s0 =	simm.s32 @!p1 $0x0  }
0x14: {  	s2 =	sld [smem:$0x3F9B];
	s0 =	simm.s32 @p1 $0x1  }
0x15: {  	[smem:$0x3FB8] =	sst s0;
	s0 =	simm.s32 @!p2 $0x0  }
0x16: {  	s3 =	sld [smem:$0x3FDB];
	s0 =	simm.s32 @p2 $0x1  }
0x17: {  	s4 =	simm.s32 $0x1BF5;
	[smem:$0x3FBA] =	sst s0  }
0x18: {  	s0 =	sld [smem:$0x3F9D];
	_ =	swait.ge [sflag:s4], $0x0  }
0x19: {  	s7 =	sld [smem:$0x3F9E]  }
0x1a: {  	s8 =	sadd.s32 $0xFFFFE003, lr  }
0x1b: {  	s9 =	sadd.s32 $0xFFFFFEF7, lr;
	s5 =	simm.s32 $0xFFFFFFFF;
	p2 =	slt.u32 s8, $0xFFFFF086  }
0x1c: {  	p1 =	slt.u32 s9, $0xF7A;
	s5 =	simm.s32 @!p2 $0x0  }
0x1d: {  	s5 =	simm.s32 @p1 $0x1;
	p0 =	seq.s32 s7, s2  }
0x1e: {  	s7 =	smul.u32 @!p0 $0xF7A, s2;
	p2 =	seq.s32 @!p0 s5, $0x0  }
0x1f: {  	s9 =	smul.u32 $0xF7A, s1;
	s8 =	simm.s32 @!p0 $0x1BF5;
	p2 =	por !p2, p0  }
0x20: {  	[sflag:s8] =	ssyncset.s32 @!p0 $0xFFFFF086;
	s6 =	sadd.s32 @!p0 s3, s7;
	s7 =	simm.s32 @!p0 $0x108  }
0x21: {  	s3 =	sadd.s32 s3, s9;
	s6 =	sadd.s32 @!p0 $0x88, s6;
	s7 =	simm.s32 @p2 $0x1082  }
0x22: {  	[simem:s7], [sflag:s8] =	dma.local @!p0 [hbm:s6], $0xF7A  }
0x23: {  	s9 =	sor.u32 $0xD0000000, s2;
	s6 =	simm.s32 $0x108;
	_ =	swait.ge @!p0 [sflag:s8], $0x0  }
0x24: {  	s3 =	sadd.s32 $0x88, s3;
	s6 =	simm.s32 @!p1 $0x1082;
	[sflag:s4] =	ssyncset.s32 $0xFFFFF086  }
0x25: {  	[simem:s6], [sflag:s4] =	dma.local [hbm:s3], $0xF7A  }
0x26: {  	[smem:$0x3F9E] =	sst s1;
	(tag) =	ssettag s2;
	_ =	strace s9  }
0x27: {  	s1 =	sld [smem:$0x3FAE]  }
0x28: {  	s2 =	sld [smem:$0x3FAF]  }
0x29: {  	s4 =	sld [smem:$0x3FB1]  }
0x2a: {  	p0 =	seq.s32 s5, $0x0;
	s5 =	sld [smem:$0x3FB2]  }
0x2b: {  	s6 =	sld [smem:$0x3FB3]  }
0x2c: {  	s7 =	sld [smem:$0x3FB4]  }
0x2d: {  	s3 =	simm.s32 $0x108;
	s8 =	sld [smem:$0x3FB5]  }
0x2e: {  	s3 =	simm.s32 @!p0 $0x1082;
	s9 =	sld [smem:$0x3FB6]  }
0x2f: {  	lr =	sadd.s32 s0, s3;
	s0 =	sld [smem:$0x3FAD]  }
0x30: {  	s3 =	sld [smem:$0x3FB0]  }
0x31: {  	[smem:$0x3FB9] =	sst s10  }
0x32: {  	s10 =	sld [smem:$0x3FB7];
	_ =	sdelay $0x3  }
0x33: {  	p0 =	seq.s32 s10, $0x1;
	s10 =	sld [smem:$0x3FB9];
	_ =	sdelay $0x3  }
0x34: {  	[smem:$0x3FB9] =	sst s10  }
0x35: {  	s10 =	sld [smem:$0x3FB8];
	_ =	sdelay $0x3  }
0x36: {  	p1 =	seq.s32 s10, $0x1;
	s10 =	sld [smem:$0x3FB9];
	_ =	sdelay $0x3  }
0x37: {  	[smem:$0x3FB9] =	sst s10  }
0x38: {  	s10 =	sld [smem:$0x3FBA]  }
0x39: {  	_ = 	snop;
	(pc) =	sbr.ind lr, $3  }
0x3a: {  	_ = 	snop  }
0x3b: {  	_ = 	snop  }
0x3c: {  	p2 =	seq.s32 s10, $0x1;
	s10 =	sld [smem:$0x3FB9]  }
0x3d: {  	_ =	shalt  }
0x3e: {  	_ =	shalt  }
0x3f: {  	_ =	shalt  }
0x40: {  	_ =	shalt  }
0x41: {  	_ =	shalt  }
0x42: {  	_ =	shalt  }
0x43: {  	_ =	shalt  }
0x44: {  	_ =	shalt  }
0x45: {  	_ =	shalt  }
0x46: {  	_ =	shalt  }
0x47: {  	_ =	shalt  }
0x48: {  	_ =	shalt  }
0x49: {  	_ =	shalt  }
0x4a: {  	_ =	shalt  }
0x4b: {  	_ =	shalt  }
0x4c: {  	_ =	shalt  }
0x4d: {  	_ =	shalt  }
0x4e: {  	_ =	shalt  }
0x4f: {  	_ =	shalt  }
0x50: {  	_ =	shalt  }
0x51: {  	_ =	shalt  }
0x52: {  	_ =	shalt  }
0x53: {  	_ =	shalt  }
0x54: {  	_ =	shalt  }
0x55: {  	_ =	shalt  }
0x56: {  	_ =	shalt  }
0x57: {  	_ =	shalt  }
0x58: {  	_ =	shalt  }
0x59: {  	_ =	shalt  }
0x5a: {  	_ =	shalt  }
0x5b: {  	_ =	shalt  }
0x5c: {  	_ =	shalt  }
0x5d: {  	_ =	shalt  }
0x5e: {  	_ =	shalt  }
0x5f: {  	_ =	shalt  }
0x60: {  	_ =	shalt  }
0x61: {  	_ =	shalt  }
0x62: {  	_ =	shalt  }
0x63: {  	_ =	shalt  }
0x64: {  	_ =	shalt  }
0x65: {  	_ =	shalt  }
0x66: {  	_ =	shalt  }
0x67: {  	_ =	shalt  }
0x68: {  	_ =	shalt  }
0x69: {  	_ =	shalt  }
0x6a: {  	_ =	shalt  }
0x6b: {  	_ =	shalt  }
0x6c: {  	_ =	shalt  }
0x6d: {  	_ =	shalt  }
0x6e: {  	_ =	shalt  }
0x6f: {  	_ =	shalt  }
0x70: {  	_ =	shalt  }
0x71: {  	_ =	shalt  }
0x72: {  	_ =	shalt  }
0x73: {  	_ =	shalt  }
0x74: {  	_ =	shalt  }
0x75: {  	_ =	shalt  }
0x76: {  	_ =	shalt  }
0x77: {  	_ =	shalt  }
0x78: {  	_ =	shalt  }
0x79: {  	_ =	shalt  }
0x7a: {  	_ =	shalt  }
0x7b: {  	_ =	shalt  }
0x7c: {  	_ =	shalt  }
0x7d: {  	_ =	shalt  }
0x7e: {  	_ =	shalt  }
0x7f: {  	_ =	shalt  }
0x80: {  	_ =	shalt  }
0x81: {  	_ =	shalt  }
0x82: {  	_ =	shalt  }
0x83: {  	_ =	shalt  }
0x84: {  	_ =	shalt  }
0x85: {  	_ =	shalt  }
0x86: {  	_ =	shalt  }
0x87: {  	_ =	shalt  }
.Lfunc_end0:
.L_simem_size_0:
called_computation_lowered:
.L_overlay_start_0:
0x88: {  	s2 =	sld [smem:$0x3FD9]  }
0x89: {  	s3 =	sld [smem:$0x3FFE];
	_ =	sdelay $0x1  }
0x8a: {  	s1 =	srdreg.scid  }
0x8b: {  	s0 =	sand.u32 $0x1, s1  }
0x8c: {  	s17 =	sshll.u32 s0, $0xA;
	s2 =	sadd.s32 s3, s2  }
0x8d: {  	s2 =	sadd.s32 s2, s17  }
0x8e: {  	[smem:$0x3FC5] =	sst s2  }
0x8f: {  	_ = 	snop  }
0x90: {  	s2 =	sld [smem:$0x3FD0];
	(tm) =	ssettm $0x1  }
0x91: {  	s18 =	sld [smem:$0x3FFB];
	_ =	sdelay $0x3  }
0x92: {  	_ =	strace s18  }
0x93: {  	s3 =	sld [smem:$0x3FFC];
	_ =	sdelay $0x3  }
0x94: {  	_ =	strace s3  }
0x95: {  	s3 =	sld [smem:$0x3FFD];
	_ =	sdelay $0x3  }
0x96: {  	_ =	strace s3  }
0x97: {  	_ =	strace $0x8FFFFFFF  }
0x98: {  	s19 =	sld [smem:$0x3FDB];
	_ =	sdelay $0x1  }
0x99: {  	s4 =	simm.s32 $_scs_section_size  }
0x9a: {  	s5 =	simm.s32 $_size__tile_overlayer_lowered;
	s6 =	simm.s32 $_tile_overlayer_lowered  }
0x9b: {  	s22 =	simm.s32 $0x1BFF;
	s21 =	sshll.u32 s6, $0x1;
	s3 =	sadd.s32 s4, s19  }
0x9c: {  	s7 =	simm.s32 $0x0;
	s20 =	sshll.u32 s5, $0x1;
	s5 =	sadd.s32 s21, s3  }
0x9d: {  	[timem:s7], [sflag:s22] =	dma.local [hbm:s5], s20  }
0x9e: {  	_ =	swait.ge [sflag:s22], s20  }
0x9f: {  	s4 =	ssub.s32 $0x0, s20;
	[sflag:s22] =	ssyncset.done $0x0  }
0xa0: {  	[sflag:s22] =	ssyncadd.s32 s4;
	_ =	sdelay $0x1  }
0xa1: {  	s23 =	simm.s32 $0x1B8B  }
0xa2: {  	_ =	swait.ge [sflag:s23], $0x1  }
0xa3: {  	[sflag:s23] =	ssyncset.done $0x0  }
0xa4: {  	s25 =	simm.s32 $0x1B8E;
	s24 =	sld [smem:$0x3FFE];
	[sflag:s23] =	ssyncadd.s32 $0xFFFFFFFF  }
0xa5: {  	s26 =	simm.s32 $execute0_lowered;
	[smem:$0x3FD2] =	sst s25  }
0xa6: {  	s5 =	sshll.u32 s26, $0x1;
	_ =	strace $0x80000046;
	[dreg:$0x1] =	wrdreg $0xFFFFFFFF  }
0xa7: {  	s28 =	simm.s32 $_size_execute0_lowered;
	s3 =	sadd.s32 s3, s5;
	[dreg:$0x0] =	wrdreg $0x0  }
0xa8: {  	s5 =	sshll.u32 s28, $0x1;
	[dreg:$0x2] =	wrdreg s3  }
0xa9: {  	[dreg:$0x3] =	wrdreg s5  }
0xaa: {  	[dreg:$0x4] =	wrdreg $0xC0  }
0xab: {  	_ =	task [dreg:s7], $0x5FFFF  }
0xac: {  	[dreg:$0x1] =	wrdreg $0xFFFFFFFF  }
0xad: {  	[dreg:$0x0] =	wrdreg $0x60  }
0xae: {  	[dreg:$0x2] =	wrdreg s2  }
0xaf: {  	[dreg:$0x3] =	wrdreg s24  }
0xb0: {  	[dreg:$0x4] =	wrdreg $0x9  }
0xb1: {  	_ =	task.clear_ibuf [dreg:s7], $0x5FFFF;
	_ =	strace $0x90000046  }
0xb2: {  	s29 =	simm.s32 $0x9;
	_ =	strace $0x80000048  }
0xb3: {  	_ =	swait.ge [sflag:s29], $0x1  }
0xb4: {  	[sflag:s29] =	ssyncadd.s32 $0xFFFFFFFF  }
0xb5: {  	_ =	strace $0x90000048  }
0xb6: {  	_ =	sfence  }
0xb7: {  	s30 =	sld [smem:$0x0];
	_ =	sdelay $0x2  }
0xb8: {  	s31 =	sshll.u32 s1, $0xD;
	s1 =	sshrl.u32 s1, $0x2  }
0xb9: {  	s3 =	sand.u32 $0x4000, s31;
	s1 =	sadd.s32 s1, s30  }
0xba: {  	s0 =	sor.u32 s3, s0;
	s1 =	sshll.u32 s1, $0x11  }
0xbb: {  	s0 =	sor.u32 s1, s0  }
0xbc: {  	s0 =	sadd.s32 $0x8F2B, s0  }
0xbd: {  	[sflag:s0] =	ssyncadd.remote.s32 $0x1  }
0xbe: {  	_ =	sfence.sel $0xFFFF  }
0xbf: {  	[dreg:$0x0] =	wrdreg $0xFFFFFFFF;
	(pc) =	sbr.abs _section_cstart, $3  }
0xc0: {  	[dreg:$0x1] =	wrdreg $0xFFFFFFFF  }
0xc1: {  	_ =	task.clear_ibuf [dreg:s7], $0x2FFFF;
	_ =	strace $0x9FFFFFFF  }
0xc2: {  	(tm) =	ssettm $0x7FFFFFFF  }
0xc3: {  	_ =	shalt  }
tec
execute0_lowered:
.L_overlay_start_1:
0x0: {  	(tag) =	ssettag $0x1  }
0x1: {  	s4 =	rddreg [dreg:$0x0]  }
0x2: {  	s5 =	rddreg [dreg:$0x1]  }
0x3: {  	s0 =	rddreg [dreg:$0x2]  }
0x4: {  	s2 =	simm.s32 $0x0;
	s3 =	srdreg.scid;
	s1 =	stileid.u32  }
0x5: {  	s9 =	simm.s32 $0x4080;
	s10 =	simm.s32 $0x0;
	s3 =	sand.u32 $0x1, s3  }
0x6: {  	[smem:$0x7FF] =	sst s2;
	s6 =	sshll.u32 s1, $0xB;
	s7 =	sshll.u32 s3, $0xA  }
0x7: {  	_ =	strace $0x80000047;
	s8 =	ssub.s32 $0x2, s3;
	s6 =	sor.u32 s7, s6  }
0x8: {  	s3 =	sadd.s32 $0xE00, s5;
	s31 =	sshrl.u32 s8, $0x1;
	s5 =	sadd.s32 s6, s5  }
0x9: {  	s7 =	ssub.s32 s8, s31;
	s4 =	sadd.s32 s4, s6;
	s8 =	simm.s32 $0x1  }
0xa: {  	s5 =	sadd.s32 $0x2C00, s5;
	s6 =	smax.u32 s7, $0x1;
	s7 =	simm.s32 $0x2080  }
.LBB2_1:
0xb: {  	[tilespmem:s7], [sflag:$0x1] =	stream.linear.gather [hbm4b:s4+s2], $0x2000, $0x38;
	[tilespmem:$0x6080] =	vst v63  }
0xc: {  	_ =	swait.ge [sflag:s8], $0x2000  }
0xd: {  	[sflag:s8] =	ssyncset.done $0x0  }
0xe: {  	[sflag:s8] =	ssyncadd.s32 $0xFFFFE000  }
0xf: {  	v0 =	vld [tilespmem:$0x2080];
	_ =	sdelay $0x4  }
0x10: {  	v0 =	vand.u32 $0x3FFFFFFF, v0  }
0x11: {  	v0 =	vor.u32 $0x80000000, v0  }
0x12: {  	(xrf0) =	vmin.scan.msk.u32 $0xffff, v0;
	_ =	sdelay $0x5  }
0x13: {  	v0, _, _ =	vpop (xrf0)  }
0x14: {  	(v2sf) =	vpush v0, $0xF;
	_ =	sdelay $0xe  }
0x15: {  	s11 =	spop (v2sf)  }
0x16: {  	s11 =	sand.u32 $0xFFFFFFF8, s11  }
0x17: {  	s11 =	sxor.u32 $0x80000000, s11  }
0x18: {  	s12 =	sshrl.u32 s11, $0x3  }
0x19: {  	s12 =	sadd.s32 s3, s12  }
0x1a: {  	[tilespmem:s2], [sflag:$0x1] =	stream.linear.gather [hbm4b:s12+s2], $0x2010, $0x38;
	[tilespmem:$0x6080] =	vst v63  }
0x1b: {  	_ =	swait.ge [sflag:s8], $0x2010  }
0x1c: {  	[sflag:s8] =	ssyncset.done $0x0  }
0x1d: {  	s16 =	simm.s32 $0x2180;
	[sflag:s8] =	ssyncadd.s32 $0xFFFFDFF0  }
0x1e: {  	v1 =	vld [tilespmem:s16+$0x80];
	_ =	sdelay $0x1  }
0x1f: {  	v3 =	vld [tilespmem:s16+$0xFFFFFF80]  }
0x20: {  	v2 =	vld [tilespmem:s16+$0xFFFFFF00];
	_ =	sdelay $0x1  }
0x21: {  	v0 =	vmov s11;
	v4 =	vld [tilespmem:s16+$0x0];
	v1 =	vand.u32 $0x3FFFFFFF, v1  }
0x22: {  	v1 =	vsub.s32 v1, v0  }
0x23: {  	v3 =	vand.u32 $0x3FFFFFFF, v3  }
0x24: {  	v2 =	vand.u32 $0x3FFFFFFF, v2;
	v3 =	vsub.s32 v3, v0  }
0x25: {  	v2 =	vsub.s32 v2, v0  }
0x26: {  	v4 =	vand.u32 $0x3FFFFFFF, v4  }
0x27: {  	v4 =	vsub.s32 v4, v0;
	v1 =	vld.idx.msk [tilespmem:v1+s2+$0x0], $0xffff;
	_ =	sdelay $0x1  }
0x28: {  	v3 =	vld.idx.msk [tilespmem:v3+s2+$0x0], $0xffff  }
0x29: {  	v2 =	vld.idx.msk [tilespmem:v2+s2+$0x0], $0xffff  }
0x2a: {  	s11 =	simm.s32 $0x4180  }
0x2b: {  	v4 =	vld.idx.msk [tilespmem:v4+s2+$0x0], $0xffff;
	[tilespmem:s11+$0x80] =	vst v1  }
0x2c: {  	v1 =	vld [tilespmem:s16+$0x90]  }
0x2d: {  	[tilespmem:s11+$0xFFFFFF80] =	vst v3  }
0x2e: {  	[tilespmem:s11+$0xFFFFFF00] =	vst v2;
	v3 =	vld [tilespmem:s16+$0xFFFFFF90]  }
0x2f: {  	v2 =	vld [tilespmem:s16+$0xFFFFFF10]  }
0x30: {  	[tilespmem:s11+$0x0] =	vst v4  }
0x31: {  	v4 =	vld [tilespmem:s16+$0x10];
	v1 =	vand.u32 $0x3FFFFFFF, v1  }
0x32: {  	v1 =	vsub.s32 v1, v0  }
0x33: {  	v3 =	vand.u32 $0x3FFFFFFF, v3  }
0x34: {  	v2 =	vand.u32 $0x3FFFFFFF, v2;
	v3 =	vsub.s32 v3, v0  }
0x35: {  	v2 =	vsub.s32 v2, v0  }
0x36: {  	v4 =	vand.u32 $0x3FFFFFFF, v4  }
0x37: {  	v4 =	vsub.s32 v4, v0;
	v1 =	vld.idx.msk [tilespmem:v1+s2+$0x0], $0xffff;
	_ =	sdelay $0x1  }
0x38: {  	v3 =	vld.idx.msk [tilespmem:v3+s2+$0x0], $0xffff  }
0x39: {  	v2 =	vld.idx.msk [tilespmem:v2+s2+$0x0], $0xffff;
	_ =	sdelay $0x1  }
0x3a: {  	v4 =	vld.idx.msk [tilespmem:v4+s2+$0x0], $0xffff;
	[tilespmem:s11+$0x90] =	vst v1  }
0x3b: {  	v1 =	vld [tilespmem:s16+$0xA0]  }
0x3c: {  	[tilespmem:s11+$0xFFFFFF90] =	vst v3  }
0x3d: {  	[tilespmem:s11+$0xFFFFFF10] =	vst v2;
	v3 =	vld [tilespmem:s16+$0xFFFFFFA0]  }
0x3e: {  	v2 =	vld [tilespmem:s16+$0xFFFFFF20]  }
0x3f: {  	[tilespmem:s11+$0x10] =	vst v4  }
0x40: {  	v4 =	vld [tilespmem:s16+$0x20];
	v1 =	vand.u32 $0x3FFFFFFF, v1  }
0x41: {  	v1 =	vsub.s32 v1, v0  }
0x42: {  	v3 =	vand.u32 $0x3FFFFFFF, v3  }
0x43: {  	v2 =	vand.u32 $0x3FFFFFFF, v2;
	v3 =	vsub.s32 v3, v0  }
0x44: {  	v2 =	vsub.s32 v2, v0  }
0x45: {  	v4 =	vand.u32 $0x3FFFFFFF, v4  }
0x46: {  	v4 =	vsub.s32 v4, v0;
	v1 =	vld.idx.msk [tilespmem:v1+s2+$0x0], $0xffff;
	_ =	sdelay $0x1  }
0x47: {  	v3 =	vld.idx.msk [tilespmem:v3+s2+$0x0], $0xffff  }
0x48: {  	v2 =	vld.idx.msk [tilespmem:v2+s2+$0x0], $0xffff;
	_ =	sdelay $0x1  }
0x49: {  	v4 =	vld.idx.msk [tilespmem:v4+s2+$0x0], $0xffff;
	[tilespmem:s11+$0xA0] =	vst v1  }
0x4a: {  	s13 =	simm.s32 $0x2380;
	v1 =	vld [tilespmem:s16+$0xB0]  }
0x4b: {  	v5 =	vld [tilespmem:s13+$0x80];
	[tilespmem:s11+$0xFFFFFFA0] =	vst v3  }
0x4c: {  	[tilespmem:s11+$0xFFFFFF20] =	vst v2;
	v3 =	vld [tilespmem:s16+$0xFFFFFFB0]  }
0x4d: {  	v2 =	vld [tilespmem:s16+$0xFFFFFF30]  }
0x4e: {  	[tilespmem:s11+$0x20] =	vst v4  }
0x4f: {  	v4 =	vld [tilespmem:s16+$0x30];
	v1 =	vand.u32 $0x3FFFFFFF, v1  }
0x50: {  	v5 =	vand.u32 $0x3FFFFFFF, v5;
	v1 =	vsub.s32 v1, v0  }
0x51: {  	v8 =	vld [tilespmem:s13+$0xFFFFFF00];
	v5 =	vsub.s32 v5, v0;
	v3 =	vand.u32 $0x3FFFFFFF, v3  }
0x52: {  	v2 =	vand.u32 $0x3FFFFFFF, v2;
	v3 =	vsub.s32 v3, v0  }
0x53: {  	v6 =	vld [tilespmem:s13+$0xFFFFFF80];
	v2 =	vsub.s32 v2, v0  }
0x54: {  	v7 =	vld [tilespmem:s13+$0x0];
	v4 =	vand.u32 $0x3FFFFFFF, v4  }
0x55: {  	v4 =	vsub.s32 v4, v0;
	v1 =	vld.idx.msk [tilespmem:v1+s2+$0x0], $0xffff  }
0x56: {  	v8 =	vand.u32 $0x3FFFFFFF, v8;
	v5 =	vld.idx.msk [tilespmem:v5+s2+$0x0], $0xffff  }
0x57: {  	v8 =	vsub.s32 v8, v0;
	v3 =	vld.idx.msk [tilespmem:v3+s2+$0x0], $0xffff  }
0x58: {  	v2 =	vld.idx.msk [tilespmem:v2+s2+$0x0], $0xffff  }
0x59: {  	v6 =	vand.u32 $0x3FFFFFFF, v6  }
0x5a: {  	s12 =	simm.s32 $0x4380;
	v4 =	vld.idx.msk [tilespmem:v4+s2+$0x0], $0xffff;
	[tilespmem:s11+$0xB0] =	vst v1;
	v1 =	vsub.s32 v6, v0;
	v6 =	vand.u32 $0x3FFFFFFF, v7  }
0x5b: {  	[tilespmem:s12+$0x80] =	vst v5;
	v7 =	vld [tilespmem:s16+$0xC0];
	v6 =	vsub.s32 v6, v0  }
0x5c: {  	[tilespmem:s11+$0xFFFFFFB0] =	vst v3;
	v3 =	vld.idx.msk [tilespmem:v8+s2+$0x0], $0xffff  }
0x5d: {  	[tilespmem:s11+$0xFFFFFF30] =	vst v2;
	v8 =	vld [tilespmem:s13+$0x90]  }
0x5e: {  	v2 =	vld [tilespmem:s16+$0xFFFFFF40]  }
0x5f: {  	[tilespmem:s11+$0x30] =	vst v4;
	v4 =	vld [tilespmem:s16+$0xFFFFFFC0]  }
0x60: {  	v7 =	vand.u32 $0x3FFFFFFF, v7;
	v6 =	vld.idx.msk [tilespmem:v6+s2+$0x0], $0xffff  }
0x61: {  	v1 =	vld.idx.msk [tilespmem:v1+s2+$0x0], $0xffff;
	v7 =	vsub.s32 v7, v0  }
0x62: {  	v8 =	vand.u32 $0x3FFFFFFF, v8  }
0x63: {  	v5 =	vld [tilespmem:s16+$0x40];
	v8 =	vsub.s32 v8, v0  }
0x64: {  	[tilespmem:s12+$0xFFFFFF00] =	vst v3;
	v2 =	vand.u32 $0x3FFFFFFF, v2  }
0x65: {  	v2 =	vsub.s32 v2, v0;
	[tilespmem:s12+$0x0] =	vst v6;
	v6 =	vld [tilespmem:s13+$0xFFFFFF10]  }
0x66: {  	v4 =	vand.u32 $0x3FFFFFFF, v4;
	[tilespmem:s12+$0xFFFFFF80] =	vst v1;
	v1 =	vld.idx.msk [tilespmem:v7+s2+$0x0], $0xffff  }
0x67: {  	v4 =	vsub.s32 v4, v0;
	v7 =	vld [tilespmem:s13+$0xFFFFFF90]  }
0x68: {  	v5 =	vand.u32 $0x3FFFFFFF, v5;
	v8 =	vld.idx.msk [tilespmem:v8+s2+$0x0], $0xffff  }
0x69: {  	v5 =	vsub.s32 v5, v0;
	v3 =	vld [tilespmem:s13+$0x10]  }
0x6a: {  	v2 =	vld.idx.msk [tilespmem:v2+s2+$0x0], $0xffff  }
0x6b: {  	v6 =	vand.u32 $0x3FFFFFFF, v6  }
0x6c: {  	v4 =	vld.idx.msk [tilespmem:v4+s2+$0x0], $0xffff;
	v7 =	vand.u32 $0x3FFFFFFF, v7;
	[tilespmem:s11+$0xC0] =	vst v1;
	v6 =	vsub.s32 v6, v0  }
0x6d: {  	v1 =	vsub.s32 v7, v0;
	v7 =	vld [tilespmem:s16+$0xD0]  }
0x6e: {  	v5 =	vld.idx.msk [tilespmem:v5+s2+$0x0], $0xffff;
	[tilespmem:s12+$0x90] =	vst v8;
	v3 =	vand.u32 $0x3FFFFFFF, v3  }
0x6f: {  	[tilespmem:s11+$0xFFFFFF40] =	vst v2;
	v8 =	vld [tilespmem:s13+$0xA0];
	v3 =	vsub.s32 v3, v0  }
0x70: {  	v2 =	vld [tilespmem:s16+$0xFFFFFF50]  }
0x71: {  	[tilespmem:s11+$0xFFFFFFC0] =	vst v4;
	v6 =	vld.idx.msk [tilespmem:v6+s2+$0x0], $0xffff  }
0x72: {  	v4 =	vld [tilespmem:s16+$0xFFFFFFD0];
	v7 =	vand.u32 $0x3FFFFFFF, v7  }
0x73: {  	v1 =	vld.idx.msk [tilespmem:v1+s2+$0x0], $0xffff;
	v7 =	vsub.s32 v7, v0  }
0x74: {  	[tilespmem:s11+$0x40] =	vst v5;
	v3 =	vld.idx.msk [tilespmem:v3+s2+$0x0], $0xffff  }
0x75: {  	v5 =	vld [tilespmem:s16+$0x50]  }
0x76: {  	v8 =	vand.u32 $0x3FFFFFFF, v8;
	[tilespmem:s12+$0xFFFFFF10] =	vst v6  }
0x77: {  	v8 =	vsub.s32 v8, v0;
	v6 =	vld [tilespmem:s13+$0xFFFFFF20]  }
0x78: {  	v2 =	vand.u32 $0x3FFFFFFF, v2;
	[tilespmem:s12+$0xFFFFFF90] =	vst v1;
	v1 =	vld.idx.msk [tilespmem:v7+s2+$0x0], $0xffff  }
0x79: {  	v4 =	vand.u32 $0x3FFFFFFF, v4;
	v2 =	vsub.s32 v2, v0;
	[tilespmem:s12+$0x10] =	vst v3;
	v7 =	vld [tilespmem:s13+$0xFFFFFFA0]  }
0x7a: {  	s14 =	simm.s32 $0x2580;
	v3 =	vsub.s32 v4, v0;
	v4 =	vand.u32 $0x3FFFFFFF, v5;
	v5 =	vld [tilespmem:s13+$0x20]  }
0x7b: {  	v9 =	vld [tilespmem:s14+$0x80];
	v4 =	vsub.s32 v4, v0  }
0x7c: {  	v8 =	vld.idx.msk [tilespmem:v8+s2+$0x0], $0xffff  }
0x7d: {  	v10 =	vld [tilespmem:s14+$0xFFFFFF80];
	v6 =	vand.u32 $0x3FFFFFFF, v6  }
0x7e: {  	v2 =	vld.idx.msk [tilespmem:v2+s2+$0x0], $0xffff;
	v7 =	vand.u32 $0x3FFFFFFF, v7;
	v6 =	vsub.s32 v6, v0  }
0x7f: {  	v3 =	vld.idx.msk [tilespmem:v3+s2+$0x0], $0xffff;
	[tilespmem:s11+$0xD0] =	vst v1;
	v5 =	vand.u32 $0x3FFFFFFF, v5;
	v1 =	vsub.s32 v7, v0  }
0x80: {  	v4 =	vld.idx.msk [tilespmem:v4+s2+$0x0], $0xffff;
	v5 =	vsub.s32 v5, v0  }
0x81: {  	[tilespmem:s12+$0xA0] =	vst v8;
	v7 =	vld [tilespmem:s16+$0xE0]  }
0x82: {  	v8 =	vld [tilespmem:s13+$0xB0]  }
0x83: {  	v6 =	vld.idx.msk [tilespmem:v6+s2+$0x0], $0xffff  }
0x84: {  	v1 =	vld.idx.msk [tilespmem:v1+s2+$0x0], $0xffff  }
0x85: {  	v9 =	vand.u32 $0x3FFFFFFF, v9;
	[tilespmem:s11+$0xFFFFFF50] =	vst v2;
	v5 =	vld.idx.msk [tilespmem:v5+s2+$0x0], $0xffff  }
0x86: {  	v9 =	vsub.s32 v9, v0;
	v2 =	vld [tilespmem:s16+$0xFFFFFF60];
	[tilespmem:s11+$0xFFFFFFD0] =	vst v3;
	v7 =	vand.u32 $0x3FFFFFFF, v7  }
0x87: {  	v3 =	vld [tilespmem:s16+$0xFFFFFFE0];
	v7 =	vsub.s32 v7, v0  }
0x88: {  	v11 =	vld [tilespmem:s14+$0x0];
	[tilespmem:s12+$0xFFFFFF20] =	vst v6  }
0x89: {  	v12 =	vld [tilespmem:s14+$0xFFFFFF00];
	[tilespmem:s12+$0xFFFFFFA0] =	vst v1  }
0x8a: {  	v1 =	vld [tilespmem:s13+$0xFFFFFF30];
	[tilespmem:s12+$0x20] =	vst v5;
	v5 =	vand.u32 $0x3FFFFFFF, v8  }
0x8b: {  	v9 =	vld.idx.msk [tilespmem:v9+s2+$0x0], $0xffff;
	v2 =	vand.u32 $0x3FFFFFFF, v2;
	v5 =	vsub.s32 v5, v0  }
0x8c: {  	[tilespmem:s11+$0x50] =	vst v4;
	v2 =	vsub.s32 v2, v0;
	v3 =	vand.u32 $0x3FFFFFFF, v3;
	v4 =	vld.idx.msk [tilespmem:v7+s2+$0x0], $0xffff  }
0x8d: {  	v3 =	vsub.s32 v3, v0;
	v6 =	vld [tilespmem:s13+$0xFFFFFFB0]  }
0x8e: {  	v8 =	vld [tilespmem:s13+$0x30]  }
0x8f: {  	v7 =	vld [tilespmem:s16+$0x60];
	v1 =	vand.u32 $0x3FFFFFFF, v1  }
0x90: {  	v1 =	vsub.s32 v1, v0;
	v5 =	vld.idx.msk [tilespmem:v5+s2+$0x0], $0xffff  }
0x91: {  	s15 =	simm.s32 $0x4580;
	v2 =	vld.idx.msk [tilespmem:v2+s2+$0x0], $0xffff  }
0x92: {  	[tilespmem:s15+$0x80] =	vst v9;
	v3 =	vld.idx.msk [tilespmem:v3+s2+$0x0], $0xffff;
	v6 =	vand.u32 $0x3FFFFFFF, v6  }
0x93: {  	v59 =	vld [tilespmem:s14+$0x90];
	[tilespmem:s11+$0xE0] =	vst v4;
	v8 =	vand.u32 $0x3FFFFFFF, v8;
	v6 =	vsub.s32 v6, v0  }
0x94: {  	v7 =	vand.u32 $0x3FFFFFFF, v7;
	v4 =	vld [tilespmem:s16+$0xF0];
	v8 =	vsub.s32 v8, v0  }
0x95: {  	v10 =	vand.u32 $0x3FFFFFFF, v10;
	v7 =	vsub.s32 v7, v0;
	v1 =	vld.idx.msk [tilespmem:v1+s2+$0x0], $0xffff;
	[tilespmem:s12+$0xB0] =	vst v5  }
0x96: {  	[tilespmem:s11+$0xFFFFFF60] =	vst v2;
	v5 =	vsub.s32 v10, v0;
	v10 =	vand.u32 $0x3FFFFFFF, v11;
	v11 =	vld [tilespmem:s13+$0xC0]  }
0x97: {  	[tilespmem:s11+$0xFFFFFFE0] =	vst v3;
	v3 =	vld [tilespmem:s16+$0xFFFFFF70]  }
0x98: {  	v12 =	vand.u32 $0x3FFFFFFF, v12;
	v6 =	vld.idx.msk [tilespmem:v6+s2+$0x0], $0xffff;
	v10 =	vsub.s32 v10, v0  }
0x99: {  	v12 =	vsub.s32 v12, v0;
	v8 =	vld.idx.msk [tilespmem:v8+s2+$0x0], $0xffff  }
0x9a: {  	v7 =	vld.idx.msk [tilespmem:v7+s2+$0x0], $0xffff;
	[tilespmem:s12+$0xFFFFFF30] =	vst v1  }
0x9b: {  	v1 =	vld [tilespmem:s13+$0xFFFFFF40];
	v11 =	vand.u32 $0x3FFFFFFF, v11  }
0x9c: {  	v5 =	vld.idx.msk [tilespmem:v5+s2+$0x0], $0xffff;
	v11 =	vsub.s32 v11, v0  }
0x9d: {  	v10 =	vld.idx.msk [tilespmem:v10+s2+$0x0], $0xffff  }
0x9e: {  	[tilespmem:s12+$0xFFFFFFB0] =	vst v6;
	v6 =	vld.idx.msk [tilespmem:v12+s2+$0x0], $0xffff  }
0x9f: {  	v2 =	vand.u32 $0x3FFFFFFF, v59;
	[tilespmem:s12+$0x30] =	vst v8;
	v8 =	vld [tilespmem:s13+$0xFFFFFFC0]  }
0xa0: {  	v2 =	vsub.s32 v2, v0;
	v9 =	vld [tilespmem:s13+$0x40];
	v1 =	vand.u32 $0x3FFFFFFF, v1  }
0xa1: {  	v4 =	vand.u32 $0x3FFFFFFF, v4;
	[tilespmem:s15+$0xFFFFFF80] =	vst v5;
	v1 =	vsub.s32 v1, v0;
	v5 =	vld.idx.msk [tilespmem:v11+s2+$0x0], $0xffff  }
0xa2: {  	v4 =	vsub.s32 v4, v0;
	[tilespmem:s15+$0x0] =	vst v10;
	v11 =	vld [tilespmem:s14+$0xFFFFFF90]  }
0xa3: {  	[tilespmem:s15+$0xFFFFFF00] =	vst v6;
	v6 =	vld [tilespmem:s14+$0x10]  }
0xa4: {  	v8 =	vand.u32 $0x3FFFFFFF, v8;
	v10 =	vld [tilespmem:s14+$0xFFFFFF10]  }
0xa5: {  	v2 =	vld.idx.msk [tilespmem:v2+s2+$0x0], $0xffff;
	v9 =	vand.u32 $0x3FFFFFFF, v9;
	v8 =	vsub.s32 v8, v0  }
0xa6: {  	v9 =	vsub.s32 v9, v0;
	v1 =	vld.idx.msk [tilespmem:v1+s2+$0x0], $0xffff  }
0xa7: {  	v4 =	vld.idx.msk [tilespmem:v4+s2+$0x0], $0xffff;
	v11 =	vand.u32 $0x3FFFFFFF, v11;
	[tilespmem:s12+$0xC0] =	vst v5  }
0xa8: {  	v6 =	vand.u32 $0x3FFFFFFF, v6;
	v11 =	vsub.s32 v11, v0;
	v60 =	vld [tilespmem:s13+$0xD0]  }
0xa9: {  	v5 =	vld [tilespmem:s16+$0xFFFFFFF0];
	v10 =	vand.u32 $0x3FFFFFFF, v10;
	v6 =	vsub.s32 v6, v0  }
0xaa: {  	v8 =	vld.idx.msk [tilespmem:v8+s2+$0x0], $0xffff;
	v10 =	vsub.s32 v10, v0  }
0xab: {  	v9 =	vld.idx.msk [tilespmem:v9+s2+$0x0], $0xffff;
	[tilespmem:s12+$0xFFFFFF40] =	vst v1  }
0xac: {  	v1 =	vld [tilespmem:s13+$0xFFFFFF50]  }
0xad: {  	v11 =	vld.idx.msk [tilespmem:v11+s2+$0x0], $0xffff;
	v12 =	vand.u32 $0x3FFFFFFF, v60  }
0xae: {  	[tilespmem:s15+$0x90] =	vst v2;
	v6 =	vld.idx.msk [tilespmem:v6+s2+$0x0], $0xffff;
	v12 =	vsub.s32 v12, v0  }
0xaf: {  	v10 =	vld.idx.msk [tilespmem:v10+s2+$0x0], $0xffff;
	[tilespmem:s12+$0xFFFFFFC0] =	vst v8  }
0xb0: {  	[tilespmem:s12+$0x40] =	vst v9;
	v9 =	vld [tilespmem:s14+$0xA0]  }
0xb1: {  	v8 =	vld [tilespmem:s13+$0xFFFFFFD0]  }
0xb2: {  	[tilespmem:s11+$0x60] =	vst v7;
	v2 =	vld [tilespmem:s13+$0x50];
	v1 =	vand.u32 $0x3FFFFFFF, v1  }
0xb3: {  	v3 =	vand.u32 $0x3FFFFFFF, v3;
	[tilespmem:s15+$0xFFFFFF90] =	vst v11;
	v1 =	vsub.s32 v1, v0;
	v11 =	vld.idx.msk [tilespmem:v12+s2+$0x0], $0xffff  }
0xb4: {  	v3 =	vsub.s32 v3, v0;
	[tilespmem:s15+$0x10] =	vst v6;
	v61 =	vld [tilespmem:s14+$0xFFFFFFA0]  }
0xb5: {  	[tilespmem:s15+$0xFFFFFF10] =	vst v10;
	v7 =	vand.u32 $0x3FFFFFFF, v9;
	v6 =	vld [tilespmem:s14+$0x20]  }
0xb6: {  	v8 =	vand.u32 $0x3FFFFFFF, v8;
	v10 =	vld [tilespmem:s14+$0xFFFFFF20];
	v7 =	vsub.s32 v7, v0  }
0xb7: {  	v9 =	vld [tilespmem:s16+$0x70];
	v2 =	vand.u32 $0x3FFFFFFF, v2;
	v8 =	vsub.s32 v8, v0  }
0xb8: {  	v2 =	vsub.s32 v2, v0;
	v1 =	vld.idx.msk [tilespmem:v1+s2+$0x0], $0xffff  }
0xb9: {  	v12 =	vand.u32 $0x3FFFFFFF, v61;
	[tilespmem:s12+$0xD0] =	vst v11;
	v11 =	vld.idx.msk [tilespmem:v3+s2+$0x0], $0xffff  }
0xba: {  	v6 =	vand.u32 $0x3FFFFFFF, v6;
	v3 =	vsub.s32 v12, v0;
	v62 =	vld [tilespmem:s13+$0xE0]  }
0xbb: {  	v10 =	vand.u32 $0x3FFFFFFF, v10;
	v7 =	vld.idx.msk [tilespmem:v7+s2+$0x0], $0xffff;
	v6 =	vsub.s32 v6, v0  }
0xbc: {  	v8 =	vld.idx.msk [tilespmem:v8+s2+$0x0], $0xffff;
	v10 =	vsub.s32 v10, v0  }
0xbd: {  	v2 =	vld.idx.msk [tilespmem:v2+s2+$0x0], $0xffff;
	[tilespmem:s12+$0xFFFFFF50] =	vst v1  }
0xbe: {  	v1 =	vld [tilespmem:s13+$0xFFFFFF60]  }
0xbf: {  	v3 =	vld.idx.msk [tilespmem:v3+s2+$0x0], $0xffff;
	v12 =	vand.u32 $0x3FFFFFFF, v62  }
0xc0: {  	v6 =	vld.idx.msk [tilespmem:v6+s2+$0x0], $0xffff;
	v12 =	vsub.s32 v12, v0  }
0xc1: {  	v10 =	vld.idx.msk [tilespmem:v10+s2+$0x0], $0xffff;
	[tilespmem:s12+$0xFFFFFFD0] =	vst v8  }
0xc2: {  	[tilespmem:s15+$0xA0] =	vst v7;
	v8 =	vld [tilespmem:s13+$0xFFFFFFE0]  }
0xc3: {  	v5 =	vand.u32 $0x3FFFFFFF, v5;
	[tilespmem:s12+$0x50] =	vst v2;
	v7 =	vld [tilespmem:s14+$0xB0];
	v1 =	vand.u32 $0x3FFFFFFF, v1  }
0xc4: {  	v13 =	vsub.s32 v5, v0;
	v5 =	vand.u32 $0x3FFFFFFF, v9;
	v2 =	vld [tilespmem:s13+$0x60];
	v1 =	vsub.s32 v1, v0  }
0xc5: {  	v9 =	vsub.s32 v5, v0;
	[tilespmem:s15+$0xFFFFFFA0] =	vst v3;
	v3 =	vld.idx.msk [tilespmem:v12+s2+$0x0], $0xffff  }
0xc6: {  	[tilespmem:s15+$0x20] =	vst v6;
	v63 =	vld [tilespmem:s14+$0xFFFFFFB0]  }
0xc7: {  	[tilespmem:s15+$0xFFFFFF20] =	vst v10;
	v6 =	vld [tilespmem:s14+$0x30];
	v5 =	vand.u32 $0x3FFFFFFF, v8  }
0xc8: {  	v8 =	vld [tilespmem:s14+$0xFFFFFF30];
	v14 =	vsub.s32 v5, v0  }
0xc9: {  	v7 =	vand.u32 $0x3FFFFFFF, v7;
	v2 =	vand.u32 $0x3FFFFFFF, v2;
	v5 =	vld.idx.msk [tilespmem:v1+s2+$0x0], $0xffff  }
0xca: {  	[tilespmem:s12+$0xE0] =	vst v3;
	v3 =	vsub.s32 v2, v0;
	v2 =	vld.idx.msk [tilespmem:v9+s2+$0x0], $0xffff;
	v9 =	vsub.s32 v7, v0  }
0xcb: {  	v1 =	vld.idx.msk [tilespmem:v13+s2+$0x0], $0xffff  }
0xcc: {  	[tilespmem:s11+$0xF0] =	vst v4;
	v7 =	vand.u32 $0x3FFFFFFF, v63;
	v6 =	vand.u32 $0x3FFFFFFF, v6;
	v4 =	vld [tilespmem:s13+$0xF0]  }
0xcd: {  	s17 =	simm.s32 $0x2780;
	s16 =	simm.s32 $0x8;
	[tilespmem:s11+$0xFFFFFF70] =	vst v11;
	v10 =	vand.u32 $0x3FFFFFFF, v8;
	v7 =	vsub.s32 v7, v0;
	v8 =	vsub.s32 v6, v0;
	v6 =	vld.idx.msk [tilespmem:v14+s2+$0x0], $0xffff  }
.LBB2_2:
0xce: {  	v11 =	vld [tilespmem:s17+$0x80];
	s16 =	sadd.s32 $0x4, s16;
	v10 =	vsub.s32 v10, v0  }
0xcf: {  	p0 =	slt.u32 s16, $0x3C;
	v9 =	vld.idx.msk [tilespmem:v9+s2+$0x0], $0xffff;
	[tilespmem:s12+$0xFFFFFF60] =	vst v5  }
0xd0: {  	v5 =	vld [tilespmem:s17+$0xFFFFFF80];
	[tilespmem:s11+$0xFFFFFFF0] =	vst v1  }
0xd1: {  	v1 =	vld [tilespmem:s17+$0x0];
	v4 =	vand.u32 $0x3FFFFFFF, v4;
	[tilespmem:s11+$0x70] =	vst v2;
	s11 =	smov.u32 s12;
	s12 =	smov.u32 s15  }
0xd2: {  	v2 =	vld [tilespmem:s17+$0xFFFFFF00];
	v4 =	vsub.s32 v4, v0  }
0xd3: {  	v11 =	vand.u32 $0x3FFFFFFF, v11;
	v10 =	vld.idx.msk [tilespmem:v10+s2+$0x0], $0xffff;
	[tilespmem:s11+$0xFFFFFFE0] =	vst v6  }
0xd4: {  	v6 =	vsub.s32 v11, v0;
	v7 =	vld.idx.msk [tilespmem:v7+s2+$0x0], $0xffff  }
0xd5: {  	v5 =	vand.u32 $0x3FFFFFFF, v5;
	v8 =	vld.idx.msk [tilespmem:v8+s2+$0x0], $0xffff;
	[tilespmem:s15+$0xB0] =	vst v9  }
0xd6: {  	v5 =	vsub.s32 v5, v0;
	v1 =	vand.u32 $0x3FFFFFFF, v1;
	v9 =	vld [tilespmem:s14+$0xC0]  }
0xd7: {  	v2 =	vand.u32 $0x3FFFFFFF, v2;
	v1 =	vsub.s32 v1, v0;
	v4 =	vld.idx.msk [tilespmem:v4+s2+$0x0], $0xffff  }
0xd8: {  	v2 =	vsub.s32 v2, v0;
	v3 =	vld.idx.msk [tilespmem:v3+s2+$0x0], $0xffff  }
0xd9: {  	v6 =	vld.idx.msk [tilespmem:v6+s2+$0x0], $0xffff;
	[tilespmem:s15+$0xFFFFFF30] =	vst v10  }
0xda: {  	v10 =	vld [tilespmem:s14+$0xFFFFFF40];
	[tilespmem:s15+$0xFFFFFFB0] =	vst v7  }
0xdb: {  	v5 =	vld.idx.msk [tilespmem:v5+s2+$0x0], $0xffff;
	[tilespmem:s15+$0x30] =	vst v8;
	v7 =	vand.u32 $0x3FFFFFFF, v9  }
0xdc: {  	v1 =	vld.idx.msk [tilespmem:v1+s2+$0x0], $0xffff;
	v7 =	vsub.s32 v7, v0  }
0xdd: {  	v2 =	vld.idx.msk [tilespmem:v2+s2+$0x0], $0xffff;
	[tilespmem:s11+$0xF0] =	vst v4  }
0xde: {  	s15 =	sadd.s32 $0x200, s15;
	v4 =	vld [tilespmem:s14+$0xFFFFFFC0];
	[tilespmem:s11+$0x60] =	vst v3  }
0xdf: {  	[tilespmem:s15+$0x80] =	vst v6;
	v3 =	vand.u32 $0x3FFFFFFF, v10;
	v6 =	vld [tilespmem:s14+$0x40]  }
0xe0: {  	v8 =	vld [tilespmem:s17+$0x90];
	v3 =	vsub.s32 v3, v0  }
0xe1: {  	[tilespmem:s15+$0xFFFFFF80] =	vst v5;
	v5 =	vld.idx.msk [tilespmem:v7+s2+$0x0], $0xffff  }
0xe2: {  	v7 =	vld [tilespmem:s17+$0xFFFFFF90];
	[tilespmem:s15+$0x0] =	vst v1  }
0xe3: {  	[tilespmem:s15+$0xFFFFFF00] =	vst v2;
	v1 =	vld [tilespmem:s17+$0x10];
	v2 =	vand.u32 $0x3FFFFFFF, v4  }
0xe4: {  	v4 =	vld [tilespmem:s17+$0xFFFFFF10];
	v2 =	vsub.s32 v2, v0;
	v6 =	vand.u32 $0x3FFFFFFF, v6  }
0xe5: {  	v8 =	vand.u32 $0x3FFFFFFF, v8;
	v3 =	vld.idx.msk [tilespmem:v3+s2+$0x0], $0xffff;
	v6 =	vsub.s32 v6, v0  }
0xe6: {  	v8 =	vsub.s32 v8, v0;
	v9 =	vld [tilespmem:s13+$0xFFFFFF70]  }
0xe7: {  	v7 =	vand.u32 $0x3FFFFFFF, v7;
	[tilespmem:s12+$0xC0] =	vst v5;
	v5 =	vld [tilespmem:s13+$0xFFFFFFF0]  }
0xe8: {  	v7 =	vsub.s32 v7, v0;
	v1 =	vand.u32 $0x3FFFFFFF, v1;
	v10 =	vld [tilespmem:s14+$0xD0]  }
0xe9: {  	v4 =	vand.u32 $0x3FFFFFFF, v4;
	v1 =	vsub.s32 v1, v0;
	v2 =	vld.idx.msk [tilespmem:v2+s2+$0x0], $0xffff  }
0xea: {  	v4 =	vsub.s32 v4, v0;
	v6 =	vld.idx.msk [tilespmem:v6+s2+$0x0], $0xffff  }
0xeb: {  	v8 =	vld.idx.msk [tilespmem:v8+s2+$0x0], $0xffff;
	[tilespmem:s12+$0xFFFFFF40] =	vst v3;
	v3 =	vand.u32 $0x3FFFFFFF, v9  }
0xec: {  	v9 =	vld [tilespmem:s14+$0xFFFFFF50];
	v3 =	vsub.s32 v3, v0;
	v5 =	vand.u32 $0x3FFFFFFF, v5  }
0xed: {  	v7 =	vld.idx.msk [tilespmem:v7+s2+$0x0], $0xffff;
	v10 =	vand.u32 $0x3FFFFFFF, v10;
	v11 =	vsub.s32 v5, v0  }
0xee: {  	v1 =	vld.idx.msk [tilespmem:v1+s2+$0x0], $0xffff;
	v5 =	vsub.s32 v10, v0  }
0xef: {  	v4 =	vld.idx.msk [tilespmem:v4+s2+$0x0], $0xffff;
	[tilespmem:s12+$0xFFFFFFC0] =	vst v2  }
0xf0: {  	v2 =	vld [tilespmem:s14+$0xFFFFFFD0];
	[tilespmem:s12+$0x40] =	vst v6  }
0xf1: {  	[tilespmem:s15+$0x90] =	vst v8;
	v6 =	vand.u32 $0x3FFFFFFF, v9;
	v8 =	vld [tilespmem:s14+$0x50]  }
0xf2: {  	v9 =	vld [tilespmem:s17+$0xA0];
	v6 =	vsub.s32 v6, v0  }
0xf3: {  	[tilespmem:s15+$0xFFFFFF90] =	vst v7;
	v5 =	vld.idx.msk [tilespmem:v5+s2+$0x0], $0xffff  }
0xf4: {  	v7 =	vld [tilespmem:s17+$0xFFFFFFA0];
	[tilespmem:s15+$0x10] =	vst v1  }
0xf5: {  	[tilespmem:s15+$0xFFFFFF10] =	vst v4;
	v1 =	vld [tilespmem:s17+$0x20];
	v2 =	vand.u32 $0x3FFFFFFF, v2  }
0xf6: {  	v4 =	vld [tilespmem:s17+$0xFFFFFF20];
	v2 =	vsub.s32 v2, v0;
	v8 =	vand.u32 $0x3FFFFFFF, v8  }
0xf7: {  	v9 =	vand.u32 $0x3FFFFFFF, v9;
	v6 =	vld.idx.msk [tilespmem:v6+s2+$0x0], $0xffff;
	v8 =	vsub.s32 v8, v0  }
0xf8: {  	v9 =	vsub.s32 v9, v0;
	v10 =	vld [tilespmem:s13+$0x70];
	s13 =	smov.u32 s14;
	s14 =	smov.u32 s17  }
0xf9: {  	v7 =	vand.u32 $0x3FFFFFFF, v7;
	[tilespmem:s12+$0xD0] =	vst v5;
	v3 =	vld.idx.msk [tilespmem:v3+s2+$0x0], $0xffff  }
0xfa: {  	v5 =	vsub.s32 v7, v0;
	v1 =	vand.u32 $0x3FFFFFFF, v1;
	v7 =	vld [tilespmem:s13+$0xE0]  }
0xfb: {  	v4 =	vand.u32 $0x3FFFFFFF, v4;
	v1 =	vsub.s32 v1, v0;
	v2 =	vld.idx.msk [tilespmem:v2+s2+$0x0], $0xffff  }
0xfc: {  	v4 =	vsub.s32 v4, v0;
	v8 =	vld.idx.msk [tilespmem:v8+s2+$0x0], $0xffff  }
0xfd: {  	v9 =	vld.idx.msk [tilespmem:v9+s2+$0x0], $0xffff;
	[tilespmem:s12+$0xFFFFFF50] =	vst v6;
	v6 =	vand.u32 $0x3FFFFFFF, v10  }
0xfe: {  	v10 =	vld [tilespmem:s13+$0xFFFFFF60];
	v6 =	vsub.s32 v6, v0  }
0xff: {  	v5 =	vld.idx.msk [tilespmem:v5+s2+$0x0], $0xffff;
	v7 =	vand.u32 $0x3FFFFFFF, v7;
	[tilespmem:s11+$0xFFFFFF70] =	vst v3  }
0x100: {  	v1 =	vld.idx.msk [tilespmem:v1+s2+$0x0], $0xffff;
	v3 =	vsub.s32 v7, v0  }
0x101: {  	v4 =	vld.idx.msk [tilespmem:v4+s2+$0x0], $0xffff;
	[tilespmem:s12+$0xFFFFFFD0] =	vst v2  }
0x102: {  	v2 =	vld [tilespmem:s13+$0xFFFFFFE0];
	[tilespmem:s12+$0x50] =	vst v8  }
0x103: {  	[tilespmem:s15+$0xA0] =	vst v9;
	v7 =	vand.u32 $0x3FFFFFFF, v10;
	v8 =	vld [tilespmem:s13+$0x60]  }
0x104: {  	v9 =	vld [tilespmem:s17+$0xB0];
	v7 =	vsub.s32 v7, v0  }
0x105: {  	[tilespmem:s15+$0xFFFFFFA0] =	vst v5;
	v10 =	vld.idx.msk [tilespmem:v3+s2+$0x0], $0xffff  }
0x106: {  	v12 =	vld [tilespmem:s17+$0xFFFFFFB0];
	[tilespmem:s15+$0x20] =	vst v1  }
0x107: {  	[tilespmem:s15+$0xFFFFFF20] =	vst v4;
	v4 =	vld [tilespmem:s17+$0x30];
	v1 =	vand.u32 $0x3FFFFFFF, v2  }
0x108: {  	v13 =	vld [tilespmem:s17+$0xFFFFFF30];
	v14 =	vsub.s32 v1, v0;
	v1 =	vand.u32 $0x3FFFFFFF, v8  }
.Ltmp0:
0x109: {  	v2 =	vand.u32 $0x3FFFFFFF, v9;
	v5 =	vld.idx.msk [tilespmem:v7+s2+$0x0], $0xffff;
	v3 =	vsub.s32 v1, v0;
	(pc) =	sbr.rel @p0 .LBB2_2-.Ltmp0, $4  }
0x10a: {  	v9 =	vsub.s32 v2, v0;
	v1 =	vld.idx.msk [tilespmem:v11+s2+$0x0], $0xffff  }
0x10b: {  	v7 =	vand.u32 $0x3FFFFFFF, v12;
	[tilespmem:s12+$0xE0] =	vst v10;
	v2 =	vld.idx.msk [tilespmem:v6+s2+$0x0], $0xffff  }
0x10c: {  	v7 =	vsub.s32 v7, v0;
	v6 =	vand.u32 $0x3FFFFFFF, v4;
	v4 =	vld [tilespmem:s13+$0xF0]  }
0x10d: {  	s17 =	sadd.s32 $0x200, s17;
	v10 =	vand.u32 $0x3FFFFFFF, v13;
	v8 =	vsub.s32 v6, v0;
	v6 =	vld.idx.msk [tilespmem:v14+s2+$0x0], $0xffff  }
0x10e: {  	_ =	sdelay $0x1  }
0x10f: {  	v10 =	vsub.s32 v10, v0;
	_ =	sdelay $0x1  }
0x110: {  	v9 =	vld.idx.msk [tilespmem:v9+s2+$0x0], $0xffff  }
0x111: {  	v7 =	vld.idx.msk [tilespmem:v7+s2+$0x0], $0xffff  }
0x112: {  	v8 =	vld.idx.msk [tilespmem:v8+s2+$0x0], $0xffff  }
0x113: {  	v10 =	vld.idx.msk [tilespmem:v10+s2+$0x0], $0xffff;
	_ =	sdelay $0x1  }
0x114: {  	[tilespmem:s15+$0xB0] =	vst v9  }
0x115: {  	[tilespmem:s15+$0xFFFFFFB0] =	vst v7;
	v9 =	vld [tilespmem:s14+$0xC0]  }
0x116: {  	[tilespmem:s15+$0x30] =	vst v8;
	v7 =	vld [tilespmem:s14+$0xFFFFFFC0]  }
0x117: {  	v8 =	vld [tilespmem:s14+$0x40];
	[tilespmem:s15+$0xFFFFFF30] =	vst v10  }
0x118: {  	v10 =	vld [tilespmem:s14+$0xFFFFFF40];
	_ =	sdelay $0x1  }
0x119: {  	v9 =	vand.u32 $0x3FFFFFFF, v9  }
0x11a: {  	v7 =	vand.u32 $0x3FFFFFFF, v7;
	v9 =	vsub.s32 v9, v0  }
0x11b: {  	v8 =	vand.u32 $0x3FFFFFFF, v8;
	v7 =	vsub.s32 v7, v0  }
0x11c: {  	v8 =	vsub.s32 v8, v0;
	v10 =	vand.u32 $0x3FFFFFFF, v10  }
0x11d: {  	v10 =	vsub.s32 v10, v0;
	_ =	sdelay $0x1  }
0x11e: {  	v9 =	vld.idx.msk [tilespmem:v9+s2+$0x0], $0xffff  }
0x11f: {  	v7 =	vld.idx.msk [tilespmem:v7+s2+$0x0], $0xffff  }
0x120: {  	v8 =	vld.idx.msk [tilespmem:v8+s2+$0x0], $0xffff  }
0x121: {  	v10 =	vld.idx.msk [tilespmem:v10+s2+$0x0], $0xffff;
	_ =	sdelay $0x1  }
0x122: {  	[tilespmem:s15+$0xC0] =	vst v9  }
0x123: {  	[tilespmem:s15+$0xFFFFFFC0] =	vst v7;
	v9 =	vld [tilespmem:s14+$0xD0]  }
0x124: {  	[tilespmem:s15+$0x40] =	vst v8;
	v7 =	vld [tilespmem:s14+$0xFFFFFFD0]  }
0x125: {  	v8 =	vld [tilespmem:s14+$0x50];
	[tilespmem:s15+$0xFFFFFF40] =	vst v10  }
0x126: {  	v10 =	vld [tilespmem:s14+$0xFFFFFF50];
	_ =	sdelay $0x1  }
0x127: {  	v9 =	vand.u32 $0x3FFFFFFF, v9  }
0x128: {  	v7 =	vand.u32 $0x3FFFFFFF, v7;
	v9 =	vsub.s32 v9, v0  }
0x129: {  	v8 =	vand.u32 $0x3FFFFFFF, v8;
	v7 =	vsub.s32 v7, v0  }
0x12a: {  	v8 =	vsub.s32 v8, v0;
	v10 =	vand.u32 $0x3FFFFFFF, v10  }
0x12b: {  	v10 =	vsub.s32 v10, v0;
	_ =	sdelay $0x1  }
0x12c: {  	v9 =	vld.idx.msk [tilespmem:v9+s2+$0x0], $0xffff  }
0x12d: {  	v7 =	vld.idx.msk [tilespmem:v7+s2+$0x0], $0xffff  }
0x12e: {  	v8 =	vld.idx.msk [tilespmem:v8+s2+$0x0], $0xffff  }
0x12f: {  	v10 =	vld.idx.msk [tilespmem:v10+s2+$0x0], $0xffff;
	_ =	sdelay $0x1  }
0x130: {  	[tilespmem:s15+$0xD0] =	vst v9  }
0x131: {  	[tilespmem:s15+$0xFFFFFFD0] =	vst v7;
	v9 =	vld [tilespmem:s14+$0xE0]  }
0x132: {  	[tilespmem:s15+$0x50] =	vst v8;
	v7 =	vld [tilespmem:s14+$0xFFFFFFE0]  }
0x133: {  	v8 =	vld [tilespmem:s14+$0x60];
	[tilespmem:s15+$0xFFFFFF50] =	vst v10  }
0x134: {  	v10 =	vld [tilespmem:s14+$0xFFFFFF60];
	_ =	sdelay $0x1  }
0x135: {  	v9 =	vand.u32 $0x3FFFFFFF, v9  }
0x136: {  	v7 =	vand.u32 $0x3FFFFFFF, v7;
	v9 =	vsub.s32 v9, v0  }
0x137: {  	v8 =	vand.u32 $0x3FFFFFFF, v8;
	v7 =	vsub.s32 v7, v0  }
0x138: {  	v53 =	vsub.s32 v8, v0;
	v10 =	vand.u32 $0x3FFFFFFF, v10  }
0x139: {  	v3 =	vld.idx.msk [tilespmem:v3+s2+$0x0], $0xffff;
	[tilespmem:s12+$0xFFFFFFE0] =	vst v6;
	v10 =	vsub.s32 v10, v0  }
0x13a: {  	v55 =	vld [tilespmem:s13+$0xFFFFFFF0]  }
0x13b: {  	v9 =	vld.idx.msk [tilespmem:v9+s2+$0x0], $0xffff  }
0x13c: {  	v7 =	vld.idx.msk [tilespmem:v7+s2+$0x0], $0xffff  }
0x13d: {  	[tilespmem:s12+$0xFFFFFF60] =	vst v5;
	v5 =	vld.idx.msk [tilespmem:v53+s2+$0x0], $0xffff  }
0x13e: {  	[tilespmem:s12+$0x60] =	vst v3;
	v10 =	vld.idx.msk [tilespmem:v10+s2+$0x0], $0xffff  }
0x13f: {  	v56 =	vld [tilespmem:s13+$0x70]  }
0x140: {  	v54 =	vld [tilespmem:s13+$0xFFFFFF70];
	[tilespmem:s15+$0xE0] =	vst v9  }
0x141: {  	[tilespmem:s15+$0xFFFFFFE0] =	vst v7;
	v9 =	vld [tilespmem:s14+$0xF0]  }
0x142: {  	v4 =	vand.u32 $0x3FFFFFFF, v4;
	[tilespmem:s15+$0x60] =	vst v5;
	v58 =	vld [tilespmem:s14+$0xFFFFFFF0]  }
0x143: {  	v4 =	vsub.s32 v4, v0;
	v3 =	vand.u32 $0x3FFFFFFF, v55;
	v59 =	vld [tilespmem:s14+$0x70];
	[tilespmem:s15+$0xFFFFFF60] =	vst v10  }
0x144: {  	v3 =	vsub.s32 v3, v0;
	v6 =	vand.u32 $0x3FFFFFFF, v56;
	v57 =	vld [tilespmem:s14+$0xFFFFFF70]  }
0x145: {  	v6 =	vsub.s32 v6, v0;
	v8 =	vand.u32 $0x3FFFFFFF, v54  }
0x146: {  	v8 =	vsub.s32 v8, v0;
	v9 =	vand.u32 $0x3FFFFFFF, v9  }
0x147: {  	v5 =	vand.u32 $0x3FFFFFFF, v58;
	v9 =	vsub.s32 v9, v0  }
0x148: {  	v4 =	vld.idx.msk [tilespmem:v4+s2+$0x0], $0xffff;
	v10 =	vand.u32 $0x3FFFFFFF, v59;
	v5 =	vsub.s32 v5, v0  }
0x149: {  	v3 =	vld.idx.msk [tilespmem:v3+s2+$0x0], $0xffff;
	v60 =	vsub.s32 v10, v0;
	v7 =	vand.u32 $0x3FFFFFFF, v57  }
0x14a: {  	v61 =	vld.idx.msk [tilespmem:v6+s2+$0x0], $0xffff;
	v7 =	vsub.s32 v7, v0  }
0x14b: {  	[tilespmem:s11+$0xFFFFFFF0] =	vst v1;
	v8 =	vld.idx.msk [tilespmem:v8+s2+$0x0], $0xffff  }
0x14c: {  	[tilespmem:s11+$0x70] =	vst v2;
	v62 =	vld.idx.msk [tilespmem:v9+s2+$0x0], $0xffff  }
0x14d: {  	[tilespmem:s12+$0xF0] =	vst v4;
	v5 =	vld.idx.msk [tilespmem:v5+s2+$0x0], $0xffff  }
0x14e: {  	[tilespmem:s12+$0xFFFFFFF0] =	vst v3;
	v0 =	vld.idx.msk [tilespmem:v60+s2+$0x0], $0xffff  }
0x14f: {  	[tilespmem:s12+$0x70] =	vst v61;
	v63 =	vld.idx.msk [tilespmem:v7+s2+$0x0], $0xffff  }
0x150: {  	[tilespmem:s12+$0xFFFFFF70] =	vst v8  }
0x151: {  	[tilespmem:s15+$0xF0] =	vst v62  }
0x152: {  	s10 =	sadd.s32 $0x1, s10;
	[tilespmem:s15+$0xFFFFFFF0] =	vst v5  }
0x153: {  	p0 =	sne.s32 s10, s6;
	[tilespmem:s15+$0x70] =	vst v0  }
.Ltmp1:
0x154: {  	[tilespmem:s15+$0xFFFFFF70] =	vst v63;
	(pc) =	sbr.rel @p0 .LBB2_1-.Ltmp1, $4  }
0x155: {  	[hbm4b:s5+s2] =	stream.linear.scatter [tilespmem:s9], [sflag:$0x1], $0x2000, $0x38;
	[tilespmem:$0x6080] =	vst v63  }
0x156: {  	_ =	swait.ge [sflag:s8], $0x2000  }
0x157: {  	[sflag:s8] =	ssyncset.done $0x0  }
0x158: {  	[sflag:s8] =	ssyncadd.s32 $0xFFFFE000  }
0x159: {  	_ =	sfence.sel $0x180000  }
0x15a: {  	[bflag:$0x0] =	sbarrier.arrive $0xFFFF  }
0x15b: {  	p0 =	sne.s32 s1, $0x0;
	_ =	strace $0x90000047  }
0x15c: {  	s0 =	sadd.s32 @!p0 $0x100000, s0;
	[bflag:$0x2] =	sbarrier.arrive $0xFFFF  }
0x15d: {  	[sflag:s0] =	ssyncadd.tile.s32 @!p0 $0x1;
	_ =	shalt  }
.Lfunc_end2:
_tile_overlayer_lowered:
.L_overlay_start_2:
0x15e: {  	(tag) =	ssettag $0x2  }
0x15f: {  	s0 =	rddreg [dreg:$0x0];
	s2 =	stileid.u32  }
0x160: {  	s1 =	rddreg [dreg:$0x1];
	p0 =	sne.s32 s2, $0x0  }
0x161: {  	s3 =	rddreg [dreg:$0x2];
	[bflag:$0x3] =	sbarrier.arrive $0xFFFF;
	s2 =	simm.s32 @!p0 $0x1C01  }
0x162: {  	[timem:s3], [sflag:s2] =	dma.local @!p0 [hbm:s0], s1  }
0x163: {  	s0 =	simm.s32 @!p0 $0x1  }
0x164: {  	_ =	swait.ge @!p0 [sflag:s0], s1  }
0x165: {  	s1 =	ssub.s32 @!p0 $0x0, s1;
	[sflag:s0] =	ssyncset.done @!p0 $0x0  }
0x166: {  	[sflag:s0] =	ssyncadd.s32 @!p0 s1  }
0x167: {  	[bflag:$0x3] =	sbarrier.arrive $0xFFFF  }
0x168: {  	_ =	shalt  }

</sc_bundles>
